<compile_context>
chip_gen: v7x
topology: tpu7x:2x2x1
jax: 0.10.2.dev20260603
libtpu: 0.0.44.dev20260713+nightly
codegen_flags: <defaults>
</compile_context>

<pallas_src>
import functools

import jax
import jax.numpy as jnp
from jax import lax
from jax.experimental import pallas as pl
from jax.experimental.pallas import tpu as pltpu
from jax.experimental.pallas import tpu_sc as plsc


def _gating_body(x_ref, wg_ref, bg_ref, w1_ref,
                 probs_ref, idx_ref, gates_ref, lrank_ref, idxt_ref,
                 bcount_ref, xpk_ref, w1b_ref):
    w1b_ref[...] = w1_ref[...].astype(jnp.bfloat16)
    x = x_ref[...]
    D2 = x.shape[1] // 2
    l16 = lax.bitcast_convert_type(x[:, :D2].astype(jnp.bfloat16), jnp.uint16)
    h16 = lax.bitcast_convert_type(x[:, D2:].astype(jnp.bfloat16), jnp.uint16)
    w = l16.astype(jnp.uint32) | (h16.astype(jnp.uint32) << 16)
    xpk_ref[...] = lax.bitcast_convert_type(w, jnp.float32)
    logits = jnp.dot(x, wg_ref[...], preferred_element_type=jnp.float32)
    logits = logits + bg_ref[...]
    BT, E = logits.shape
    m1 = jnp.max(logits, axis=1, keepdims=True)
    i1 = jnp.argmax(logits, axis=1)
    col = lax.broadcasted_iota(jnp.int32, (BT, E), 1)
    neg_inf = jnp.float32(-jnp.inf)
    masked = jnp.where(col == i1[:, None], neg_inf, logits)
    m2 = jnp.max(masked, axis=1, keepdims=True)
    i2 = jnp.argmax(masked, axis=1)

    ex = jnp.exp(logits - m1)
    probs_ref[...] = ex / jnp.sum(ex, axis=1, keepdims=True)
    idx_ref[...] = jnp.stack([i1, i2], axis=1)

    e2 = jnp.exp(m2 - m1)
    g1 = 1.0 / (1.0 + e2)
    g2 = e2 / (1.0 + e2)
    gates_ref[...] = jnp.concatenate([g1, g2], axis=1)

    oh0 = (col == i1[:, None]).astype(jnp.float32)
    oh1 = (col == i2[:, None]).astype(jnp.float32)
    row = lax.broadcasted_iota(jnp.int32, (BT, BT), 0)
    colt = lax.broadcasted_iota(jnp.int32, (BT, BT), 1)
    tril = (row > colt).astype(jnp.float32)
    s = jax.lax.dot(tril, oh0 + oh1, precision=jax.lax.Precision.HIGHEST,
                    preferred_element_type=jnp.float32)
    r0 = jnp.sum(s * oh0, axis=1, keepdims=True)
    r1 = jnp.sum(s * oh1, axis=1, keepdims=True)
    lrank_ref[...] = jnp.concatenate([r0, r1], axis=1).astype(jnp.int32).T
    idxt_ref[...] = jnp.stack([i1, i2], axis=0)
    bcount_ref[...] = jnp.sum(oh0 + oh1, axis=0).astype(jnp.int32).reshape(1, 1, E)


def _make_meta_body(num_tb, bt, blk, nb):
    def _meta_body(bc_ref, idxt_ref, lrank_ref, pos_ref, bexp_ref):
        T = num_tb
        bc = bc_ref[...].reshape(T, -1).astype(jnp.float32)
        E = bc.shape[1]
        rt = lax.broadcasted_iota(jnp.int32, (T, T), 0)
        ct = lax.broadcasted_iota(jnp.int32, (T, T), 1)
        trilT = (rt > ct).astype(jnp.float32)
        rank_base = jnp.sum(trilT[:, :, None] * bc[None, :, :], axis=1)
        count = jnp.sum(bc, axis=0, keepdims=True)
        padded = jnp.ceil(count / blk) * blk
        re = lax.broadcasted_iota(jnp.int32, (E, E), 0)
        ce = lax.broadcasted_iota(jnp.int32, (E, E), 1)
        ue = (re <= ce).astype(jnp.float32)
        cum_incl = jnp.sum(padded[0, :, None] * ue, axis=0, keepdims=True)
        seg_start = cum_incl - padded
        base_et = (seg_start + rank_base).astype(jnp.int32).T

        idxt = idxt_ref[...]
        lrank = lrank_ref[...]
        B = idxt.shape[1]
        tb = lax.broadcasted_iota(jnp.int32, (E, B), 1) // bt
        base_full = jnp.zeros((E, B), jnp.int32)
        for t in range(T):
            base_full = jnp.where(tb == t, base_et[:, t:t + 1], base_full)
        erow = lax.broadcasted_iota(jnp.int32, (E, B), 0)
        p0 = jnp.sum(jnp.where(erow == idxt[0:1, :], base_full, 0), axis=0,
                     keepdims=True)
        p1 = jnp.sum(jnp.where(erow == idxt[1:2, :], base_full, 0), axis=0,
                     keepdims=True)
        pos_ref[...] = jnp.concatenate([p0, p1], axis=0) + lrank

        rs = (lax.broadcasted_iota(jnp.int32, (nb, 1), 0) * blk).astype(jnp.float32)
        bexp = jnp.sum((cum_incl <= rs).astype(jnp.float32), axis=1, keepdims=True)
        bexp_ref[...] = jnp.minimum(bexp, E - 1).astype(jnp.int32)
    return _meta_body


def _wconv_body(w2_ref, w2b_ref):
    w2b_ref[...] = w2_ref[...].astype(jnp.bfloat16)


def _gffn_body(bexp_ref, xs_ref, w1_ref, b1_ref, w2_ref, b2_ref, ys_ref):
    del bexp_ref
    w = lax.bitcast_convert_type(xs_ref[...], jnp.uint32)
    D2 = w.shape[1]
    lo = lax.bitcast_convert_type(w << 16, jnp.float32)
    hi = lax.bitcast_convert_type(w & jnp.uint32(0xFFFF0000), jnp.float32)
    lo = lo.astype(jnp.bfloat16)
    hi = hi.astype(jnp.bfloat16)
    h = (jnp.dot(lo, w1_ref[0, :D2, :], preferred_element_type=jnp.float32)
         + jnp.dot(hi, w1_ref[0, D2:, :], preferred_element_type=jnp.float32)
         + b1_ref[0])
    h = jnp.maximum(h, 0.0).astype(jnp.bfloat16)
    y = jnp.dot(h, w2_ref[0], preferred_element_type=jnp.float32) + b2_ref[0]
    l16 = lax.bitcast_convert_type(y[:, :D2].astype(jnp.bfloat16), jnp.uint16)
    h16 = lax.bitcast_convert_type(y[:, D2:].astype(jnp.bfloat16), jnp.uint16)
    wo = l16.astype(jnp.uint32) | (h16.astype(jnp.uint32) << 16)
    ys_ref[...] = lax.bitcast_convert_type(wo, jnp.float32)


def _unpack_add_body(y0_ref, y1_ref, gates_ref, out_ref):
    w0 = lax.bitcast_convert_type(y0_ref[...], jnp.uint32)
    w1 = lax.bitcast_convert_type(y1_ref[...], jnp.uint32)
    msk = jnp.uint32(0xFFFF0000)
    g0 = gates_ref[:, 0:1]
    g1 = gates_ref[:, 1:2]
    lo = (g0 * lax.bitcast_convert_type(w0 << 16, jnp.float32)
          + g1 * lax.bitcast_convert_type(w1 << 16, jnp.float32))
    hi = (g0 * lax.bitcast_convert_type(w0 & msk, jnp.float32)
          + g1 * lax.bitcast_convert_type(w1 & msk, jnp.float32))
    out_ref[...] = jnp.concatenate([lo, hi], axis=1)


def kernel(x, Wg, bg, W1, b1, W2, b2):
    B, D = x.shape
    E = Wg.shape[1]
    H = W1.shape[2]
    BT = B // E
    num_tb = B // BT
    BLK = 256
    NB = (2 * B) // BLK + E
    NPAD = NB * BLK

    probs, idx, gates, lrank, idxt, bcount, xpk, W1b = pl.pallas_call(
        _gating_body,
        grid=(num_tb,),
        in_specs=[
            pl.BlockSpec((BT, D), lambda t: (t, 0)),
            pl.BlockSpec((D, E), lambda t: (0, 0)),
            pl.BlockSpec((1, E), lambda t: (0, 0)),
            pl.BlockSpec((1, D, H), lambda t: (t, 0, 0)),
        ],
        out_specs=[
            pl.BlockSpec((BT, E), lambda t: (t, 0)),
            pl.BlockSpec((BT, 2), lambda t: (t, 0)),
            pl.BlockSpec((BT, 2), lambda t: (t, 0)),
            pl.BlockSpec((2, BT), lambda t: (0, t)),
            pl.BlockSpec((2, BT), lambda t: (0, t)),
            pl.BlockSpec((1, 1, E), lambda t: (t, 0, 0)),
            pl.BlockSpec((BT, D // 2), lambda t: (t, 0)),
            pl.BlockSpec((1, D, H), lambda t: (t, 0, 0)),
        ],
        out_shape=[
            jax.ShapeDtypeStruct((B, E), jnp.float32),
            jax.ShapeDtypeStruct((B, 2), jnp.int32),
            jax.ShapeDtypeStruct((B, 2), jnp.float32),
            jax.ShapeDtypeStruct((2, B), jnp.int32),
            jax.ShapeDtypeStruct((2, B), jnp.int32),
            jax.ShapeDtypeStruct((num_tb, 1, E), jnp.int32),
            jax.ShapeDtypeStruct((B, D // 2), jnp.float32),
            jax.ShapeDtypeStruct((E, D, H), jnp.bfloat16),
        ],
    )(x, Wg, bg.reshape(1, E), W1)

    W2b = pl.pallas_call(
        _wconv_body,
        grid=(E,),
        in_specs=[
            pl.BlockSpec((1, H, D), lambda e: (e, 0, 0)),
        ],
        out_specs=pl.BlockSpec((1, H, D), lambda e: (e, 0, 0)),
        out_shape=jax.ShapeDtypeStruct((E, H, D), jnp.bfloat16),
    )(W2)

    pos, bexp = pl.pallas_call(
        _make_meta_body(num_tb, BT, BLK, NB),
        out_shape=[
            jax.ShapeDtypeStruct((2, B), jnp.int32),
            jax.ShapeDtypeStruct((NB, 1), jnp.int32),
        ],
    )(bcount, idxt, lrank)

    p0 = pos[0]
    p1 = pos[1]
    bexp_flat = bexp.reshape(NB)

    info = plsc.get_sparse_core_info()
    NC, NS = info.num_cores, info.num_subcores
    NW = NC * NS
    tok_w = B // NW
    mesh = plsc.VectorSubcoreMesh(core_axis_name="c", subcore_axis_name="s")

    SUB = min(64, tok_w)

    @functools.partial(
        pl.kernel, mesh=mesh,
        out_type=jax.ShapeDtypeStruct((NPAD, D // 2), jnp.float32),
        scratch_types=[
            pltpu.VMEM((SUB, D // 2), jnp.float32),
            pltpu.VMEM((SUB,), jnp.int32),
            pltpu.VMEM((SUB,), jnp.int32),
            pltpu.SemaphoreType.DMA,
        ],
    )
    def _sc_scatter(x_hbm, p0_hbm, p1_hbm,
                    xs_hbm, xbuf, i0, i1, sem):
        wid = lax.axis_index("s") * NC + lax.axis_index("c")
        for sC in range(tok_w // SUB):
            rb = wid * tok_w + sC * SUB
            lds = [
                pltpu.async_copy(p0_hbm.at[pl.ds(rb, SUB)], i0, sem),
                pltpu.async_copy(p1_hbm.at[pl.ds(rb, SUB)], i1, sem),
                pltpu.async_copy(x_hbm.at[pl.ds(rb, SUB)], xbuf, sem),
            ]
            for c in lds:
                c.wait()
            sts = [
                pltpu.async_copy(xbuf, xs_hbm.at[i0], sem),
                pltpu.async_copy(xbuf, xs_hbm.at[i1], sem),
            ]
            for c in sts:
                c.wait()

    xs = _sc_scatter(xpk, p0, p1)

    ys = pl.pallas_call(
        _gffn_body,
        grid_spec=pltpu.PrefetchScalarGridSpec(
            num_scalar_prefetch=1,
            grid=(NB,),
            in_specs=[
                pl.BlockSpec((BLK, D // 2), lambda i, be: (i, 0)),
                pl.BlockSpec((1, D, H), lambda i, be: (be[i], 0, 0)),
                pl.BlockSpec((1, 1, H), lambda i, be: (be[i], 0, 0)),
                pl.BlockSpec((1, H, D), lambda i, be: (be[i], 0, 0)),
                pl.BlockSpec((1, 1, D), lambda i, be: (be[i], 0, 0)),
            ],
            out_specs=pl.BlockSpec((BLK, D // 2), lambda i, be: (i, 0)),
        ),
        out_shape=jax.ShapeDtypeStruct((NPAD, D // 2), jnp.float32),
    )(bexp_flat, xs, W1b, b1.reshape(E, 1, H), W2b, b2.reshape(E, 1, D))

    CSUB = min(64, tok_w)

    @functools.partial(
        pl.kernel, mesh=mesh,
        out_type=[
            jax.ShapeDtypeStruct((B, D // 2), jnp.float32),
            jax.ShapeDtypeStruct((B, D // 2), jnp.float32),
        ],
        scratch_types=[
            pltpu.VMEM((CSUB, D // 2), jnp.float32),
            pltpu.VMEM((CSUB, D // 2), jnp.float32),
            pltpu.VMEM((CSUB,), jnp.int32),
            pltpu.VMEM((CSUB,), jnp.int32),
            pltpu.SemaphoreType.DMA,
        ],
    )
    def _sc_combine(ys_hbm, p0_hbm, p1_hbm, yg0_hbm, yg1_hbm,
                    y0, y1, i0, i1, sem):
        wid = lax.axis_index("s") * NC + lax.axis_index("c")
        for sC in range(tok_w // CSUB):
            rb = wid * tok_w + sC * CSUB
            ca = pltpu.async_copy(p0_hbm.at[pl.ds(rb, CSUB)], i0, sem)
            cb = pltpu.async_copy(p1_hbm.at[pl.ds(rb, CSUB)], i1, sem)
            ca.wait()
            cb.wait()
            cp0 = pltpu.async_copy(ys_hbm.at[i0], y0, sem)
            cp1 = pltpu.async_copy(ys_hbm.at[i1], y1, sem)
            cp0.wait()
            cp1.wait()
            co0 = pltpu.async_copy(y0, yg0_hbm.at[pl.ds(rb, CSUB)], sem)
            co1 = pltpu.async_copy(y1, yg1_hbm.at[pl.ds(rb, CSUB)], sem)
            co0.wait()
            co1.wait()

    yg0, yg1 = _sc_combine(ys, p0, p1)

    BT2 = min(512, B)
    out = pl.pallas_call(
        _unpack_add_body,
        grid=(B // BT2,),
        in_specs=[
            pl.BlockSpec((BT2, D // 2), lambda t: (t, 0)),
            pl.BlockSpec((BT2, D // 2), lambda t: (t, 0)),
            pl.BlockSpec((BT2, 2), lambda t: (t, 0)),
        ],
        out_specs=pl.BlockSpec((BT2, D), lambda t: (t, 0)),
        out_shape=jax.ShapeDtypeStruct((B, D), jnp.float32),
    )(yg0, yg1, gates)
    return out, probs, idx

# --- scband reference (transcript-rebuilt; emitter-appended) ---
"""Pipeline reference for scband-mixture-of-experts-42855183680108 (READ-ONLY COPY).

The authoritative reference and input builder live on the scoring server;
editing this copy changes nothing except your own understanding.
"""

import jax, jax.numpy as jnp
import numpy as np

TOKENS = 4096
INPUT_DIM = 1024
HIDDEN_DIM = 1024
NUM_EXPERTS = 8
TOP_K = 2


def setup_inputs(seed: int = 0) -> dict:
    key = jax.random.key(seed)
    ks = jax.random.split(key, 6)
    x = jax.random.normal(ks[0], (TOKENS, INPUT_DIM), dtype=jnp.float32)
    Wg = jax.random.normal(ks[1], (INPUT_DIM, NUM_EXPERTS), dtype=jnp.float32) * 0.02
    bg = jnp.zeros((NUM_EXPERTS,), dtype=jnp.float32)
    W1 = jax.random.normal(ks[2], (NUM_EXPERTS, INPUT_DIM, HIDDEN_DIM), dtype=jnp.float32) * 0.02
    b1 = jnp.zeros((NUM_EXPERTS, HIDDEN_DIM), dtype=jnp.float32)
    W2 = jax.random.normal(ks[3], (NUM_EXPERTS, HIDDEN_DIM, INPUT_DIM), dtype=jnp.float32) * 0.02
    b2 = jnp.zeros((NUM_EXPERTS, INPUT_DIM), dtype=jnp.float32)
    return {"x": x, "Wg": Wg, "bg": bg, "W1": W1, "b1": b1, "W2": W2, "b2": b2}


def reference(x, Wg, bg, W1, b1, W2, b2):
    # Gating network
    gate_logits = x @ Wg + bg                                  # [B, E]
    gate_probs = jax.nn.softmax(gate_logits, axis=1)           # [B, E]
    top_k_logits, top_k_indices = jax.lax.top_k(gate_logits, TOP_K)  # [B, k]
    top_k_gates = jax.nn.softmax(top_k_logits, axis=1)         # [B, k]

    # Combine weights per (token, expert): sum of top-k gate weights routed to that expert
    one_hot = jax.nn.one_hot(top_k_indices, NUM_EXPERTS, dtype=x.dtype)  # [B, k, E]
    combine = jnp.einsum('bk,bke->be', top_k_gates, one_hot)             # [B, E]

    # Expert FFNs (dropout is identity in eval). Mathematically identical to the
    # torch sorted/grouped dispatch: output[b] = sum_e combine[b,e] * expert_e(x[b]).
    h = jnp.einsum('bd,edh->ebh', x, W1) + b1[:, None, :]      # [E, B, H]
    h = jax.nn.relu(h)
    y = jnp.einsum('ebh,ehd->ebd', h, W2) + b2[:, None, :]     # [E, B, D]
    output = jnp.einsum('be,ebd->bd', combine, y)              # [B, D]

    return output, gate_probs, top_k_indices

if __name__ == "__main__":
    import jax
    _d = setup_inputs()
    print(jax.jit(kernel)(*tuple(_d.values())))

</pallas_src>

<mosaic_0001>
#map = affine_map<(d0, d1) -> (0, 0)>
#map1 = affine_map<(d0, d1) -> (0)>
module attributes {stable_mosaic.version = 14 : i64} {
  func.func @_sc_combine(%arg0: i32, %arg1: i32, %arg2: memref<10240x512xf32, #tpu.memory_space<hbm>>, %arg3: memref<4096xi32, #tpu.memory_space<hbm>>, %arg4: memref<4096xi32, #tpu.memory_space<hbm>>, %arg5: memref<4096x512xf32, #tpu.memory_space<hbm>>, %arg6: memref<4096x512xf32, #tpu.memory_space<hbm>>, %arg7: memref<64x512xf32, #tpu.memory_space<vmem>>, %arg8: memref<64x512xf32, #tpu.memory_space<vmem>>, %arg9: memref<64xi32, #tpu.memory_space<vmem>>, %arg10: memref<64xi32, #tpu.memory_space<vmem>>, %arg11: memref<!tpu.dma_semaphore, #tpu.memory_space<semaphore_mem>>) attributes {dimension_semantics = [#tpu.dimension_semantics<core_parallel>, #tpu.dimension_semantics<subcore_parallel>], iteration_bounds = array<i64: 2, 16>, scalar_prefetch = 0 : i64, scratch_operands = 5 : i64, tpu.core_type = #tpu.core_type<sc_vector_subcore>, window_params = [{transform_indices = #map}, {transform_indices = #map1}, {transform_indices = #map1}, {transform_indices = #map}, {transform_indices = #map}]} {
    %mul3A = arith.constant 2 : i32
    %mul3A_0 = arith.muli %arg1, %mul3A : i32
    %add3A = arith.addi %mul3A_0, %arg0 : i32
    %mul3A_1 = arith.constant 128 : i32
    %mul3A_2 = arith.muli %add3A, %mul3A_1 : i32
    %add3A_3 = arith.constant 0 : i32
    %add3A_4 = arith.addi %mul3A_2, %add3A_3 : i32
    %dma_start3A = tpu.memref_slice %arg3[%add3A_4] : memref<4096xi32, #tpu.memory_space<hbm>> -> memref<64xi32, #tpu.memory_space<hbm>>
    %dma_start3A_5 = tpu.memref_slice %arg3[%add3A_4] : memref<4096xi32, #tpu.memory_space<hbm>> -> memref<64xi32, #tpu.memory_space<hbm>>
    tpu.enqueue_dma source(%dma_start3A_5 : memref<64xi32, #tpu.memory_space<hbm>>) target(%arg9 : memref<64xi32, #tpu.memory_space<vmem>>) target_semaphore(%arg11 : memref<!tpu.dma_semaphore, #tpu.memory_space<semaphore_mem>>)
    %dma_start3A_6 = tpu.memref_slice %arg4[%add3A_4] : memref<4096xi32, #tpu.memory_space<hbm>> -> memref<64xi32, #tpu.memory_space<hbm>>
    %dma_start3A_7 = tpu.memref_slice %arg4[%add3A_4] : memref<4096xi32, #tpu.memory_space<hbm>> -> memref<64xi32, #tpu.memory_space<hbm>>
    tpu.enqueue_dma source(%dma_start3A_7 : memref<64xi32, #tpu.memory_space<hbm>>) target(%arg10 : memref<64xi32, #tpu.memory_space<vmem>>) target_semaphore(%arg11 : memref<!tpu.dma_semaphore, #tpu.memory_space<semaphore_mem>>)
    %dma_wait3A = tpu.memref_slice %arg3[%add3A_4] : memref<4096xi32, #tpu.memory_space<hbm>> -> memref<64xi32, #tpu.memory_space<hbm>>
    %dma_wait3A_8 = tpu.memref_slice %arg3[%add3A_4] : memref<4096xi32, #tpu.memory_space<hbm>> -> memref<64xi32, #tpu.memory_space<hbm>>
    tpu.wait_dma2 semaphore(%arg11 : memref<!tpu.dma_semaphore, #tpu.memory_space<semaphore_mem>>) src(%dma_wait3A_8 : memref<64xi32, #tpu.memory_space<hbm>>) dst(%arg9 : memref<64xi32, #tpu.memory_space<vmem>>)
    %dma_wait3A_9 = tpu.memref_slice %arg4[%add3A_4] : memref<4096xi32, #tpu.memory_space<hbm>> -> memref<64xi32, #tpu.memory_space<hbm>>
    %dma_wait3A_10 = tpu.memref_slice %arg4[%add3A_4] : memref<4096xi32, #tpu.memory_space<hbm>> -> memref<64xi32, #tpu.memory_space<hbm>>
    tpu.wait_dma2 semaphore(%arg11 : memref<!tpu.dma_semaphore, #tpu.memory_space<semaphore_mem>>) src(%dma_wait3A_10 : memref<64xi32, #tpu.memory_space<hbm>>) dst(%arg10 : memref<64xi32, #tpu.memory_space<vmem>>)
    %dma_start3A_11 = arith.constant 0 : i32
    %dma_start3A_12 = arith.constant 0 : i32
    %dma_start3A_13 = tpu.memref_slice %arg2[%dma_start3A_11, %dma_start3A_12] : memref<10240x512xf32, #tpu.memory_space<hbm>> -> memref<10240x512xf32, #tpu.memory_space<hbm>>
    tpu.enqueue_indirect_dma source(%dma_start3A_13 : memref<10240x512xf32, #tpu.memory_space<hbm>>) target(%arg7 : memref<64x512xf32, #tpu.memory_space<vmem>>) offsets(%arg9 : memref<64xi32, #tpu.memory_space<vmem>>) semaphore(%arg11 : memref<!tpu.dma_semaphore, #tpu.memory_space<semaphore_mem>>)
    %dma_start3A_14 = arith.constant 0 : i32
    %dma_start3A_15 = arith.constant 0 : i32
    %dma_start3A_16 = tpu.memref_slice %arg2[%dma_start3A_14, %dma_start3A_15] : memref<10240x512xf32, #tpu.memory_space<hbm>> -> memref<10240x512xf32, #tpu.memory_space<hbm>>
    tpu.enqueue_indirect_dma source(%dma_start3A_16 : memref<10240x512xf32, #tpu.memory_space<hbm>>) target(%arg8 : memref<64x512xf32, #tpu.memory_space<vmem>>) offsets(%arg10 : memref<64xi32, #tpu.memory_space<vmem>>) semaphore(%arg11 : memref<!tpu.dma_semaphore, #tpu.memory_space<semaphore_mem>>)
    %dma_wait3A_17 = arith.constant 0 : i32
    %dma_wait3A_18 = arith.constant 0 : i32
    %dma_wait3A_19 = tpu.memref_slice %arg2[%dma_wait3A_17, %dma_wait3A_18] : memref<10240x512xf32, #tpu.memory_space<hbm>> -> memref<10240x512xf32, #tpu.memory_space<hbm>>
    tpu.wait_indirect_dma semaphore(%arg11 : memref<!tpu.dma_semaphore, #tpu.memory_space<semaphore_mem>>) src(%dma_wait3A_19 : memref<10240x512xf32, #tpu.memory_space<hbm>>) dst(%arg7 : memref<64x512xf32, #tpu.memory_space<vmem>>)
    %dma_wait3A_20 = arith.constant 0 : i32
    %dma_wait3A_21 = arith.constant 0 : i32
    %dma_wait3A_22 = tpu.memref_slice %arg2[%dma_wait3A_20, %dma_wait3A_21] : memref<10240x512xf32, #tpu.memory_space<hbm>> -> memref<10240x512xf32, #tpu.memory_space<hbm>>
    tpu.wait_indirect_dma semaphore(%arg11 : memref<!tpu.dma_semaphore, #tpu.memory_space<semaphore_mem>>) src(%dma_wait3A_22 : memref<10240x512xf32, #tpu.memory_space<hbm>>) dst(%arg8 : memref<64x512xf32, #tpu.memory_space<vmem>>)
    %dma_start3A_23 = arith.constant 0 : i32
    %dma_start3A_24 = tpu.memref_slice %arg5[%add3A_4, %dma_start3A_23] : memref<4096x512xf32, #tpu.memory_space<hbm>> -> memref<64x512xf32, #tpu.memory_space<hbm>>
    %dma_start3A_25 = arith.constant 0 : i32
    %dma_start3A_26 = tpu.memref_slice %arg5[%add3A_4, %dma_start3A_25] : memref<4096x512xf32, #tpu.memory_space<hbm>> -> memref<64x512xf32, #tpu.memory_space<hbm>>
    tpu.enqueue_dma source(%arg7 : memref<64x512xf32, #tpu.memory_space<vmem>>) target(%dma_start3A_26 : memref<64x512xf32, #tpu.memory_space<hbm>>) target_semaphore(%arg11 : memref<!tpu.dma_semaphore, #tpu.memory_space<semaphore_mem>>)
    %dma_start3A_27 = arith.constant 0 : i32
    %dma_start3A_28 = tpu.memref_slice %arg6[%add3A_4, %dma_start3A_27] : memref<4096x512xf32, #tpu.memory_space<hbm>> -> memref<64x512xf32, #tpu.memory_space<hbm>>
    %dma_start3A_29 = arith.constant 0 : i32
    %dma_start3A_30 = tpu.memref_slice %arg6[%add3A_4, %dma_start3A_29] : memref<4096x512xf32, #tpu.memory_space<hbm>> -> memref<64x512xf32, #tpu.memory_space<hbm>>
    tpu.enqueue_dma source(%arg8 : memref<64x512xf32, #tpu.memory_space<vmem>>) target(%dma_start3A_30 : memref<64x512xf32, #tpu.memory_space<hbm>>) target_semaphore(%arg11 : memref<!tpu.dma_semaphore, #tpu.memory_space<semaphore_mem>>)
    %dma_wait3A_31 = arith.constant 0 : i32
    %dma_wait3A_32 = tpu.memref_slice %arg5[%add3A_4, %dma_wait3A_31] : memref<4096x512xf32, #tpu.memory_space<hbm>> -> memref<64x512xf32, #tpu.memory_space<hbm>>
    %dma_wait3A_33 = arith.constant 0 : i32
    %dma_wait3A_34 = tpu.memref_slice %arg5[%add3A_4, %dma_wait3A_33] : memref<4096x512xf32, #tpu.memory_space<hbm>> -> memref<64x512xf32, #tpu.memory_space<hbm>>
    tpu.wait_dma2 semaphore(%arg11 : memref<!tpu.dma_semaphore, #tpu.memory_space<semaphore_mem>>) src(%arg7 : memref<64x512xf32, #tpu.memory_space<vmem>>) dst(%dma_wait3A_34 : memref<64x512xf32, #tpu.memory_space<hbm>>)
    %dma_wait3A_35 = arith.constant 0 : i32
    %dma_wait3A_36 = tpu.memref_slice %arg6[%add3A_4, %dma_wait3A_35] : memref<4096x512xf32, #tpu.memory_space<hbm>> -> memref<64x512xf32, #tpu.memory_space<hbm>>
    %dma_wait3A_37 = arith.constant 0 : i32
    %dma_wait3A_38 = tpu.memref_slice %arg6[%add3A_4, %dma_wait3A_37] : memref<4096x512xf32, #tpu.memory_space<hbm>> -> memref<64x512xf32, #tpu.memory_space<hbm>>
    tpu.wait_dma2 semaphore(%arg11 : memref<!tpu.dma_semaphore, #tpu.memory_space<semaphore_mem>>) src(%arg8 : memref<64x512xf32, #tpu.memory_space<vmem>>) dst(%dma_wait3A_38 : memref<64x512xf32, #tpu.memory_space<hbm>>)
    %mul3A_39 = arith.constant 128 : i32
    %mul3A_40 = arith.muli %add3A, %mul3A_39 : i32
    %add3A_41 = arith.constant 64 : i32
    %add3A_42 = arith.addi %mul3A_40, %add3A_41 : i32
    %dma_start3A_43 = tpu.memref_slice %arg3[%add3A_42] : memref<4096xi32, #tpu.memory_space<hbm>> -> memref<64xi32, #tpu.memory_space<hbm>>
    %dma_start3A_44 = tpu.memref_slice %arg3[%add3A_42] : memref<4096xi32, #tpu.memory_space<hbm>> -> memref<64xi32, #tpu.memory_space<hbm>>
    tpu.enqueue_dma source(%dma_start3A_44 : memref<64xi32, #tpu.memory_space<hbm>>) target(%arg9 : memref<64xi32, #tpu.memory_space<vmem>>) target_semaphore(%arg11 : memref<!tpu.dma_semaphore, #tpu.memory_space<semaphore_mem>>)
    %dma_start3A_45 = tpu.memref_slice %arg4[%add3A_42] : memref<4096xi32, #tpu.memory_space<hbm>> -> memref<64xi32, #tpu.memory_space<hbm>>
    %dma_start3A_46 = tpu.memref_slice %arg4[%add3A_42] : memref<4096xi32, #tpu.memory_space<hbm>> -> memref<64xi32, #tpu.memory_space<hbm>>
    tpu.enqueue_dma source(%dma_start3A_46 : memref<64xi32, #tpu.memory_space<hbm>>) target(%arg10 : memref<64xi32, #tpu.memory_space<vmem>>) target_semaphore(%arg11 : memref<!tpu.dma_semaphore, #tpu.memory_space<semaphore_mem>>)
    %dma_wait3A_47 = tpu.memref_slice %arg3[%add3A_42] : memref<4096xi32, #tpu.memory_space<hbm>> -> memref<64xi32, #tpu.memory_space<hbm>>
    %dma_wait3A_48 = tpu.memref_slice %arg3[%add3A_42] : memref<4096xi32, #tpu.memory_space<hbm>> -> memref<64xi32, #tpu.memory_space<hbm>>
    tpu.wait_dma2 semaphore(%arg11 : memref<!tpu.dma_semaphore, #tpu.memory_space<semaphore_mem>>) src(%dma_wait3A_48 : memref<64xi32, #tpu.memory_space<hbm>>) dst(%arg9 : memref<64xi32, #tpu.memory_space<vmem>>)
    %dma_wait3A_49 = tpu.memref_slice %arg4[%add3A_42] : memref<4096xi32, #tpu.memory_space<hbm>> -> memref<64xi32, #tpu.memory_space<hbm>>
    %dma_wait3A_50 = tpu.memref_slice %arg4[%add3A_42] : memref<4096xi32, #tpu.memory_space<hbm>> -> memref<64xi32, #tpu.memory_space<hbm>>
    tpu.wait_dma2 semaphore(%arg11 : memref<!tpu.dma_semaphore, #tpu.memory_space<semaphore_mem>>) src(%dma_wait3A_50 : memref<64xi32, #tpu.memory_space<hbm>>) dst(%arg10 : memref<64xi32, #tpu.memory_space<vmem>>)
    %dma_start3A_51 = arith.constant 0 : i32
    %dma_start3A_52 = arith.constant 0 : i32
    %dma_start3A_53 = tpu.memref_slice %arg2[%dma_start3A_51, %dma_start3A_52] : memref<10240x512xf32, #tpu.memory_space<hbm>> -> memref<10240x512xf32, #tpu.memory_space<hbm>>
    tpu.enqueue_indirect_dma source(%dma_start3A_53 : memref<10240x512xf32, #tpu.memory_space<hbm>>) target(%arg7 : memref<64x512xf32, #tpu.memory_space<vmem>>) offsets(%arg9 : memref<64xi32, #tpu.memory_space<vmem>>) semaphore(%arg11 : memref<!tpu.dma_semaphore, #tpu.memory_space<semaphore_mem>>)
    %dma_start3A_54 = arith.constant 0 : i32
    %dma_start3A_55 = arith.constant 0 : i32
    %dma_start3A_56 = tpu.memref_slice %arg2[%dma_start3A_54, %dma_start3A_55] : memref<10240x512xf32, #tpu.memory_space<hbm>> -> memref<10240x512xf32, #tpu.memory_space<hbm>>
    tpu.enqueue_indirect_dma source(%dma_start3A_56 : memref<10240x512xf32, #tpu.memory_space<hbm>>) target(%arg8 : memref<64x512xf32, #tpu.memory_space<vmem>>) offsets(%arg10 : memref<64xi32, #tpu.memory_space<vmem>>) semaphore(%arg11 : memref<!tpu.dma_semaphore, #tpu.memory_space<semaphore_mem>>)
    %dma_wait3A_57 = arith.constant 0 : i32
    %dma_wait3A_58 = arith.constant 0 : i32
    %dma_wait3A_59 = tpu.memref_slice %arg2[%dma_wait3A_57, %dma_wait3A_58] : memref<10240x512xf32, #tpu.memory_space<hbm>> -> memref<10240x512xf32, #tpu.memory_space<hbm>>
    tpu.wait_indirect_dma semaphore(%arg11 : memref<!tpu.dma_semaphore, #tpu.memory_space<semaphore_mem>>) src(%dma_wait3A_59 : memref<10240x512xf32, #tpu.memory_space<hbm>>) dst(%arg7 : memref<64x512xf32, #tpu.memory_space<vmem>>)
    %dma_wait3A_60 = arith.constant 0 : i32
    %dma_wait3A_61 = arith.constant 0 : i32
    %dma_wait3A_62 = tpu.memref_slice %arg2[%dma_wait3A_60, %dma_wait3A_61] : memref<10240x512xf32, #tpu.memory_space<hbm>> -> memref<10240x512xf32, #tpu.memory_space<hbm>>
    tpu.wait_indirect_dma semaphore(%arg11 : memref<!tpu.dma_semaphore, #tpu.memory_space<semaphore_mem>>) src(%dma_wait3A_62 : memref<10240x512xf32, #tpu.memory_space<hbm>>) dst(%arg8 : memref<64x512xf32, #tpu.memory_space<vmem>>)
    %dma_start3A_63 = arith.constant 0 : i32
    %dma_start3A_64 = tpu.memref_slice %arg5[%add3A_42, %dma_start3A_63] : memref<4096x512xf32, #tpu.memory_space<hbm>> -> memref<64x512xf32, #tpu.memory_space<hbm>>
    %dma_start3A_65 = arith.constant 0 : i32
    %dma_start3A_66 = tpu.memref_slice %arg5[%add3A_42, %dma_start3A_65] : memref<4096x512xf32, #tpu.memory_space<hbm>> -> memref<64x512xf32, #tpu.memory_space<hbm>>
    tpu.enqueue_dma source(%arg7 : memref<64x512xf32, #tpu.memory_space<vmem>>) target(%dma_start3A_66 : memref<64x512xf32, #tpu.memory_space<hbm>>) target_semaphore(%arg11 : memref<!tpu.dma_semaphore, #tpu.memory_space<semaphore_mem>>)
    %dma_start3A_67 = arith.constant 0 : i32
    %dma_start3A_68 = tpu.memref_slice %arg6[%add3A_42, %dma_start3A_67] : memref<4096x512xf32, #tpu.memory_space<hbm>> -> memref<64x512xf32, #tpu.memory_space<hbm>>
    %dma_start3A_69 = arith.constant 0 : i32
    %dma_start3A_70 = tpu.memref_slice %arg6[%add3A_42, %dma_start3A_69] : memref<4096x512xf32, #tpu.memory_space<hbm>> -> memref<64x512xf32, #tpu.memory_space<hbm>>
    tpu.enqueue_dma source(%arg8 : memref<64x512xf32, #tpu.memory_space<vmem>>) target(%dma_start3A_70 : memref<64x512xf32, #tpu.memory_space<hbm>>) target_semaphore(%arg11 : memref<!tpu.dma_semaphore, #tpu.memory_space<semaphore_mem>>)
    %dma_wait3A_71 = arith.constant 0 : i32
    %dma_wait3A_72 = tpu.memref_slice %arg5[%add3A_42, %dma_wait3A_71] : memref<4096x512xf32, #tpu.memory_space<hbm>> -> memref<64x512xf32, #tpu.memory_space<hbm>>
    %dma_wait3A_73 = arith.constant 0 : i32
    %dma_wait3A_74 = tpu.memref_slice %arg5[%add3A_42, %dma_wait3A_73] : memref<4096x512xf32, #tpu.memory_space<hbm>> -> memref<64x512xf32, #tpu.memory_space<hbm>>
    tpu.wait_dma2 semaphore(%arg11 : memref<!tpu.dma_semaphore, #tpu.memory_space<semaphore_mem>>) src(%arg7 : memref<64x512xf32, #tpu.memory_space<vmem>>) dst(%dma_wait3A_74 : memref<64x512xf32, #tpu.memory_space<hbm>>)
    %dma_wait3A_75 = arith.constant 0 : i32
    %dma_wait3A_76 = tpu.memref_slice %arg6[%add3A_42, %dma_wait3A_75] : memref<4096x512xf32, #tpu.memory_space<hbm>> -> memref<64x512xf32, #tpu.memory_space<hbm>>
    %dma_wait3A_77 = arith.constant 0 : i32
    %dma_wait3A_78 = tpu.memref_slice %arg6[%add3A_42, %dma_wait3A_77] : memref<4096x512xf32, #tpu.memory_space<hbm>> -> memref<64x512xf32, #tpu.memory_space<hbm>>
    tpu.wait_dma2 semaphore(%arg11 : memref<!tpu.dma_semaphore, #tpu.memory_space<semaphore_mem>>) src(%arg8 : memref<64x512xf32, #tpu.memory_space<vmem>>) dst(%dma_wait3A_78 : memref<64x512xf32, #tpu.memory_space<hbm>>)
    return
  }
}

#map = affine_map<(d0, d1) -> (0, 0)>
#map1 = affine_map<(d0, d1) -> (0)>
module attributes {stable_mosaic.version = 14 : i64} {
  func.func @_sc_scatter(%arg0: i32, %arg1: i32, %arg2: memref<4096x512xf32, #tpu.memory_space<hbm>>, %arg3: memref<4096xi32, #tpu.memory_space<hbm>>, %arg4: memref<4096xi32, #tpu.memory_space<hbm>>, %arg5: memref<10240x512xf32, #tpu.memory_space<hbm>>, %arg6: memref<64x512xf32, #tpu.memory_space<vmem>>, %arg7: memref<64xi32, #tpu.memory_space<vmem>>, %arg8: memref<64xi32, #tpu.memory_space<vmem>>, %arg9: memref<!tpu.dma_semaphore, #tpu.memory_space<semaphore_mem>>) attributes {dimension_semantics = [#tpu.dimension_semantics<core_parallel>, #tpu.dimension_semantics<subcore_parallel>], iteration_bounds = array<i64: 2, 16>, scalar_prefetch = 0 : i64, scratch_operands = 4 : i64, tpu.core_type = #tpu.core_type<sc_vector_subcore>, window_params = [{transform_indices = #map}, {transform_indices = #map1}, {transform_indices = #map1}, {transform_indices = #map}]} {
    %mul3A = arith.constant 2 : i32
    %mul3A_0 = arith.muli %arg1, %mul3A : i32
    %add3A = arith.addi %mul3A_0, %arg0 : i32
    %mul3A_1 = arith.constant 128 : i32
    %mul3A_2 = arith.muli %add3A, %mul3A_1 : i32
    %add3A_3 = arith.constant 0 : i32
    %add3A_4 = arith.addi %mul3A_2, %add3A_3 : i32
    %dma_start3A = tpu.memref_slice %arg3[%add3A_4] : memref<4096xi32, #tpu.memory_space<hbm>> -> memref<64xi32, #tpu.memory_space<hbm>>
    %dma_start3A_5 = tpu.memref_slice %arg3[%add3A_4] : memref<4096xi32, #tpu.memory_space<hbm>> -> memref<64xi32, #tpu.memory_space<hbm>>
    tpu.enqueue_dma source(%dma_start3A_5 : memref<64xi32, #tpu.memory_space<hbm>>) target(%arg7 : memref<64xi32, #tpu.memory_space<vmem>>) target_semaphore(%arg9 : memref<!tpu.dma_semaphore, #tpu.memory_space<semaphore_mem>>)
    %dma_start3A_6 = tpu.memref_slice %arg4[%add3A_4] : memref<4096xi32, #tpu.memory_space<hbm>> -> memref<64xi32, #tpu.memory_space<hbm>>
    %dma_start3A_7 = tpu.memref_slice %arg4[%add3A_4] : memref<4096xi32, #tpu.memory_space<hbm>> -> memref<64xi32, #tpu.memory_space<hbm>>
    tpu.enqueue_dma source(%dma_start3A_7 : memref<64xi32, #tpu.memory_space<hbm>>) target(%arg8 : memref<64xi32, #tpu.memory_space<vmem>>) target_semaphore(%arg9 : memref<!tpu.dma_semaphore, #tpu.memory_space<semaphore_mem>>)
    %dma_start3A_8 = arith.constant 0 : i32
    %dma_start3A_9 = tpu.memref_slice %arg2[%add3A_4, %dma_start3A_8] : memref<4096x512xf32, #tpu.memory_space<hbm>> -> memref<64x512xf32, #tpu.memory_space<hbm>>
    %dma_start3A_10 = arith.constant 0 : i32
    %dma_start3A_11 = tpu.memref_slice %arg2[%add3A_4, %dma_start3A_10] : memref<4096x512xf32, #tpu.memory_space<hbm>> -> memref<64x512xf32, #tpu.memory_space<hbm>>
    tpu.enqueue_dma source(%dma_start3A_11 : memref<64x512xf32, #tpu.memory_space<hbm>>) target(%arg6 : memref<64x512xf32, #tpu.memory_space<vmem>>) target_semaphore(%arg9 : memref<!tpu.dma_semaphore, #tpu.memory_space<semaphore_mem>>)
    %dma_wait3A = tpu.memref_slice %arg3[%add3A_4] : memref<4096xi32, #tpu.memory_space<hbm>> -> memref<64xi32, #tpu.memory_space<hbm>>
    %dma_wait3A_12 = tpu.memref_slice %arg3[%add3A_4] : memref<4096xi32, #tpu.memory_space<hbm>> -> memref<64xi32, #tpu.memory_space<hbm>>
    tpu.wait_dma2 semaphore(%arg9 : memref<!tpu.dma_semaphore, #tpu.memory_space<semaphore_mem>>) src(%dma_wait3A_12 : memref<64xi32, #tpu.memory_space<hbm>>) dst(%arg7 : memref<64xi32, #tpu.memory_space<vmem>>)
    %dma_wait3A_13 = tpu.memref_slice %arg4[%add3A_4] : memref<4096xi32, #tpu.memory_space<hbm>> -> memref<64xi32, #tpu.memory_space<hbm>>
    %dma_wait3A_14 = tpu.memref_slice %arg4[%add3A_4] : memref<4096xi32, #tpu.memory_space<hbm>> -> memref<64xi32, #tpu.memory_space<hbm>>
    tpu.wait_dma2 semaphore(%arg9 : memref<!tpu.dma_semaphore, #tpu.memory_space<semaphore_mem>>) src(%dma_wait3A_14 : memref<64xi32, #tpu.memory_space<hbm>>) dst(%arg8 : memref<64xi32, #tpu.memory_space<vmem>>)
    %dma_wait3A_15 = arith.constant 0 : i32
    %dma_wait3A_16 = tpu.memref_slice %arg2[%add3A_4, %dma_wait3A_15] : memref<4096x512xf32, #tpu.memory_space<hbm>> -> memref<64x512xf32, #tpu.memory_space<hbm>>
    %dma_wait3A_17 = arith.constant 0 : i32
    %dma_wait3A_18 = tpu.memref_slice %arg2[%add3A_4, %dma_wait3A_17] : memref<4096x512xf32, #tpu.memory_space<hbm>> -> memref<64x512xf32, #tpu.memory_space<hbm>>
    tpu.wait_dma2 semaphore(%arg9 : memref<!tpu.dma_semaphore, #tpu.memory_space<semaphore_mem>>) src(%dma_wait3A_18 : memref<64x512xf32, #tpu.memory_space<hbm>>) dst(%arg6 : memref<64x512xf32, #tpu.memory_space<vmem>>)
    %dma_start3A_19 = arith.constant 0 : i32
    %dma_start3A_20 = arith.constant 0 : i32
    %dma_start3A_21 = tpu.memref_slice %arg5[%dma_start3A_19, %dma_start3A_20] : memref<10240x512xf32, #tpu.memory_space<hbm>> -> memref<10240x512xf32, #tpu.memory_space<hbm>>
    tpu.enqueue_indirect_dma source(%arg6 : memref<64x512xf32, #tpu.memory_space<vmem>>) target(%dma_start3A_21 : memref<10240x512xf32, #tpu.memory_space<hbm>>) offsets(%arg7 : memref<64xi32, #tpu.memory_space<vmem>>) semaphore(%arg9 : memref<!tpu.dma_semaphore, #tpu.memory_space<semaphore_mem>>)
    %dma_start3A_22 = arith.constant 0 : i32
    %dma_start3A_23 = arith.constant 0 : i32
    %dma_start3A_24 = tpu.memref_slice %arg5[%dma_start3A_22, %dma_start3A_23] : memref<10240x512xf32, #tpu.memory_space<hbm>> -> memref<10240x512xf32, #tpu.memory_space<hbm>>
    tpu.enqueue_indirect_dma source(%arg6 : memref<64x512xf32, #tpu.memory_space<vmem>>) target(%dma_start3A_24 : memref<10240x512xf32, #tpu.memory_space<hbm>>) offsets(%arg8 : memref<64xi32, #tpu.memory_space<vmem>>) semaphore(%arg9 : memref<!tpu.dma_semaphore, #tpu.memory_space<semaphore_mem>>)
    %dma_wait3A_25 = arith.constant 0 : i32
    %dma_wait3A_26 = arith.constant 0 : i32
    %dma_wait3A_27 = tpu.memref_slice %arg5[%dma_wait3A_25, %dma_wait3A_26] : memref<10240x512xf32, #tpu.memory_space<hbm>> -> memref<10240x512xf32, #tpu.memory_space<hbm>>
    tpu.wait_indirect_dma semaphore(%arg9 : memref<!tpu.dma_semaphore, #tpu.memory_space<semaphore_mem>>) src(%arg6 : memref<64x512xf32, #tpu.memory_space<vmem>>) dst(%dma_wait3A_27 : memref<10240x512xf32, #tpu.memory_space<hbm>>)
    %dma_wait3A_28 = arith.constant 0 : i32
    %dma_wait3A_29 = arith.constant 0 : i32
    %dma_wait3A_30 = tpu.memref_slice %arg5[%dma_wait3A_28, %dma_wait3A_29] : memref<10240x512xf32, #tpu.memory_space<hbm>> -> memref<10240x512xf32, #tpu.memory_space<hbm>>
    tpu.wait_indirect_dma semaphore(%arg9 : memref<!tpu.dma_semaphore, #tpu.memory_space<semaphore_mem>>) src(%arg6 : memref<64x512xf32, #tpu.memory_space<vmem>>) dst(%dma_wait3A_30 : memref<10240x512xf32, #tpu.memory_space<hbm>>)
    %mul3A_31 = arith.constant 128 : i32
    %mul3A_32 = arith.muli %add3A, %mul3A_31 : i32
    %add3A_33 = arith.constant 64 : i32
    %add3A_34 = arith.addi %mul3A_32, %add3A_33 : i32
    %dma_start3A_35 = tpu.memref_slice %arg3[%add3A_34] : memref<4096xi32, #tpu.memory_space<hbm>> -> memref<64xi32, #tpu.memory_space<hbm>>
    %dma_start3A_36 = tpu.memref_slice %arg3[%add3A_34] : memref<4096xi32, #tpu.memory_space<hbm>> -> memref<64xi32, #tpu.memory_space<hbm>>
    tpu.enqueue_dma source(%dma_start3A_36 : memref<64xi32, #tpu.memory_space<hbm>>) target(%arg7 : memref<64xi32, #tpu.memory_space<vmem>>) target_semaphore(%arg9 : memref<!tpu.dma_semaphore, #tpu.memory_space<semaphore_mem>>)
    %dma_start3A_37 = tpu.memref_slice %arg4[%add3A_34] : memref<4096xi32, #tpu.memory_space<hbm>> -> memref<64xi32, #tpu.memory_space<hbm>>
    %dma_start3A_38 = tpu.memref_slice %arg4[%add3A_34] : memref<4096xi32, #tpu.memory_space<hbm>> -> memref<64xi32, #tpu.memory_space<hbm>>
    tpu.enqueue_dma source(%dma_start3A_38 : memref<64xi32, #tpu.memory_space<hbm>>) target(%arg8 : memref<64xi32, #tpu.memory_space<vmem>>) target_semaphore(%arg9 : memref<!tpu.dma_semaphore, #tpu.memory_space<semaphore_mem>>)
    %dma_start3A_39 = arith.constant 0 : i32
    %dma_start3A_40 = tpu.memref_slice %arg2[%add3A_34, %dma_start3A_39] : memref<4096x512xf32, #tpu.memory_space<hbm>> -> memref<64x512xf32, #tpu.memory_space<hbm>>
    %dma_start3A_41 = arith.constant 0 : i32
    %dma_start3A_42 = tpu.memref_slice %arg2[%add3A_34, %dma_start3A_41] : memref<4096x512xf32, #tpu.memory_space<hbm>> -> memref<64x512xf32, #tpu.memory_space<hbm>>
    tpu.enqueue_dma source(%dma_start3A_42 : memref<64x512xf32, #tpu.memory_space<hbm>>) target(%arg6 : memref<64x512xf32, #tpu.memory_space<vmem>>) target_semaphore(%arg9 : memref<!tpu.dma_semaphore, #tpu.memory_space<semaphore_mem>>)
    %dma_wait3A_43 = tpu.memref_slice %arg3[%add3A_34] : memref<4096xi32, #tpu.memory_space<hbm>> -> memref<64xi32, #tpu.memory_space<hbm>>
    %dma_wait3A_44 = tpu.memref_slice %arg3[%add3A_34] : memref<4096xi32, #tpu.memory_space<hbm>> -> memref<64xi32, #tpu.memory_space<hbm>>
    tpu.wait_dma2 semaphore(%arg9 : memref<!tpu.dma_semaphore, #tpu.memory_space<semaphore_mem>>) src(%dma_wait3A_44 : memref<64xi32, #tpu.memory_space<hbm>>) dst(%arg7 : memref<64xi32, #tpu.memory_space<vmem>>)
    %dma_wait3A_45 = tpu.memref_slice %arg4[%add3A_34] : memref<4096xi32, #tpu.memory_space<hbm>> -> memref<64xi32, #tpu.memory_space<hbm>>
    %dma_wait3A_46 = tpu.memref_slice %arg4[%add3A_34] : memref<4096xi32, #tpu.memory_space<hbm>> -> memref<64xi32, #tpu.memory_space<hbm>>
    tpu.wait_dma2 semaphore(%arg9 : memref<!tpu.dma_semaphore, #tpu.memory_space<semaphore_mem>>) src(%dma_wait3A_46 : memref<64xi32, #tpu.memory_space<hbm>>) dst(%arg8 : memref<64xi32, #tpu.memory_space<vmem>>)
    %dma_wait3A_47 = arith.constant 0 : i32
    %dma_wait3A_48 = tpu.memref_slice %arg2[%add3A_34, %dma_wait3A_47] : memref<4096x512xf32, #tpu.memory_space<hbm>> -> memref<64x512xf32, #tpu.memory_space<hbm>>
    %dma_wait3A_49 = arith.constant 0 : i32
    %dma_wait3A_50 = tpu.memref_slice %arg2[%add3A_34, %dma_wait3A_49] : memref<4096x512xf32, #tpu.memory_space<hbm>> -> memref<64x512xf32, #tpu.memory_space<hbm>>
    tpu.wait_dma2 semaphore(%arg9 : memref<!tpu.dma_semaphore, #tpu.memory_space<semaphore_mem>>) src(%dma_wait3A_50 : memref<64x512xf32, #tpu.memory_space<hbm>>) dst(%arg6 : memref<64x512xf32, #tpu.memory_space<vmem>>)
    %dma_start3A_51 = arith.constant 0 : i32
    %dma_start3A_52 = arith.constant 0 : i32
    %dma_start3A_53 = tpu.memref_slice %arg5[%dma_start3A_51, %dma_start3A_52] : memref<10240x512xf32, #tpu.memory_space<hbm>> -> memref<10240x512xf32, #tpu.memory_space<hbm>>
    tpu.enqueue_indirect_dma source(%arg6 : memref<64x512xf32, #tpu.memory_space<vmem>>) target(%dma_start3A_53 : memref<10240x512xf32, #tpu.memory_space<hbm>>) offsets(%arg7 : memref<64xi32, #tpu.memory_space<vmem>>) semaphore(%arg9 : memref<!tpu.dma_semaphore, #tpu.memory_space<semaphore_mem>>)
    %dma_start3A_54 = arith.constant 0 : i32
    %dma_start3A_55 = arith.constant 0 : i32
    %dma_start3A_56 = tpu.memref_slice %arg5[%dma_start3A_54, %dma_start3A_55] : memref<10240x512xf32, #tpu.memory_space<hbm>> -> memref<10240x512xf32, #tpu.memory_space<hbm>>
    tpu.enqueue_indirect_dma source(%arg6 : memref<64x512xf32, #tpu.memory_space<vmem>>) target(%dma_start3A_56 : memref<10240x512xf32, #tpu.memory_space<hbm>>) offsets(%arg8 : memref<64xi32, #tpu.memory_space<vmem>>) semaphore(%arg9 : memref<!tpu.dma_semaphore, #tpu.memory_space<semaphore_mem>>)
    %dma_wait3A_57 = arith.constant 0 : i32
    %dma_wait3A_58 = arith.constant 0 : i32
    %dma_wait3A_59 = tpu.memref_slice %arg5[%dma_wait3A_57, %dma_wait3A_58] : memref<10240x512xf32, #tpu.memory_space<hbm>> -> memref<10240x512xf32, #tpu.memory_space<hbm>>
    tpu.wait_indirect_dma semaphore(%arg9 : memref<!tpu.dma_semaphore, #tpu.memory_space<semaphore_mem>>) src(%arg6 : memref<64x512xf32, #tpu.memory_space<vmem>>) dst(%dma_wait3A_59 : memref<10240x512xf32, #tpu.memory_space<hbm>>)
    %dma_wait3A_60 = arith.constant 0 : i32
    %dma_wait3A_61 = arith.constant 0 : i32
    %dma_wait3A_62 = tpu.memref_slice %arg5[%dma_wait3A_60, %dma_wait3A_61] : memref<10240x512xf32, #tpu.memory_space<hbm>> -> memref<10240x512xf32, #tpu.memory_space<hbm>>
    tpu.wait_indirect_dma semaphore(%arg9 : memref<!tpu.dma_semaphore, #tpu.memory_space<semaphore_mem>>) src(%arg6 : memref<64x512xf32, #tpu.memory_space<vmem>>) dst(%dma_wait3A_62 : memref<10240x512xf32, #tpu.memory_space<hbm>>)
    return
  }
}

module attributes {stable_mosaic.version = 14 : i64} {
  func.func @_meta_body(%arg0: memref<8x1x8xi32, #tpu.memory_space<vmem>>, %arg1: memref<2x4096xi32, #tpu.memory_space<vmem>>, %arg2: memref<2x4096xi32, #tpu.memory_space<vmem>>, %arg3: memref<2x4096xi32, #tpu.memory_space<vmem>>, %arg4: memref<40x1xi32, #tpu.memory_space<vmem>>) attributes {dimension_semantics = [], scalar_prefetch = 0 : i64, scratch_operands = 0 : i64, tpu.core_type = #tpu.core_type<tc>} {
    %get3A = arith.constant 0 : index
    %get3A_0 = arith.constant 0 : index
    %get3A_1 = arith.constant 0 : index
    %get3A_2 = vector.load %arg0[%get3A, %get3A_0, %get3A_1] : memref<8x1x8xi32, #tpu.memory_space<vmem>>, vector<8x1x8xi32>
    %reshape3A = vector.shape_cast %get3A_2 : vector<8x1x8xi32> to vector<8x8xi32>
    %convert_element_type3A = arith.sitofp %reshape3A : vector<8x8xi32> to vector<8x8xf32>
    %iota3A = tpu.iota {dimensions = array<i32: 0>} : vector<8x8xi32>
    %iota3A_3 = tpu.iota {dimensions = array<i32: 1>} : vector<8x8xi32>
    %gt3A = arith.cmpi sgt, %iota3A, %iota3A_3 : vector<8x8xi32>
    %convert_element_type3A_4 = arith.extui %gt3A : vector<8x8xi1> to vector<8x8xi32>
    %convert_element_type3A_5 = arith.sitofp %convert_element_type3A_4 : vector<8x8xi32> to vector<8x8xf32>
    %broadcast_in_dim3A = vector.shape_cast %convert_element_type3A_5 : vector<8x8xf32> to vector<8x8x1xf32>
    %broadcast_in_dim3A_6 = vector.shape_cast %convert_element_type3A : vector<8x8xf32> to vector<1x8x8xf32>
    %mul3A = vector.broadcast %broadcast_in_dim3A : vector<8x8x1xf32> to vector<8x8x8xf32>
    %mul3A_7 = vector.broadcast %broadcast_in_dim3A_6 : vector<1x8x8xf32> to vector<8x8x8xf32>
    %mul3A_8 = arith.mulf %mul3A, %mul3A_7 : vector<8x8x8xf32>
    %reduce_sum3A = arith.constant dense<0.000000e+00> : vector<8x8xf32>
    %reduce_sum3A_9 = vector.multi_reduction <add>, %mul3A_8, %reduce_sum3A [1] : vector<8x8x8xf32> to vector<8x8xf32>
    %reduce_sum3A_10 = arith.constant dense<0.000000e+00> : vector<8xf32>
    %reduce_sum3A_11 = vector.multi_reduction <add>, %convert_element_type3A, %reduce_sum3A_10 [0] : vector<8x8xf32> to vector<8xf32>
    %broadcast_in_dim3A_12 = vector.shape_cast %reduce_sum3A_11 : vector<8xf32> to vector<1x8xf32>
    %div3A = arith.constant 2.560000e+02 : f32
    %div3A_13 = vector.broadcast %div3A : f32 to vector<1x8xf32>
    %div3A_14 = arith.divf %broadcast_in_dim3A_12, %div3A_13 : vector<1x8xf32>
    %ceil3A = math.ceil %div3A_14 : vector<1x8xf32>
    %mul3A_15 = arith.constant 2.560000e+02 : f32
    %mul3A_16 = vector.broadcast %mul3A_15 : f32 to vector<1x8xf32>
    %mul3A_17 = arith.mulf %ceil3A, %mul3A_16 : vector<1x8xf32>
    %iota3A_18 = tpu.iota {dimensions = array<i32: 0>} : vector<8x8xi32>
    %iota3A_19 = tpu.iota {dimensions = array<i32: 1>} : vector<8x8xi32>
    %le3A = arith.cmpi sle, %iota3A_18, %iota3A_19 : vector<8x8xi32>
    %convert_element_type3A_20 = arith.extui %le3A : vector<8x8xi1> to vector<8x8xi32>
    %convert_element_type3A_21 = arith.sitofp %convert_element_type3A_20 : vector<8x8xi32> to vector<8x8xf32>
    %squeeze3A = vector.shape_cast %mul3A_17 : vector<1x8xf32> to vector<8xf32>
    %broadcast_in_dim3A_22 = vector.shape_cast %squeeze3A : vector<8xf32> to vector<8x1xf32>
    %mul3A_23 = vector.broadcast %broadcast_in_dim3A_22 : vector<8x1xf32> to vector<8x8xf32>
    %mul3A_24 = arith.mulf %mul3A_23, %convert_element_type3A_21 : vector<8x8xf32>
    %reduce_sum3A_25 = arith.constant dense<0.000000e+00> : vector<8xf32>
    %reduce_sum3A_26 = vector.multi_reduction <add>, %mul3A_24, %reduce_sum3A_25 [0] : vector<8x8xf32> to vector<8xf32>
    %broadcast_in_dim3A_27 = vector.shape_cast %reduce_sum3A_26 : vector<8xf32> to vector<1x8xf32>
    %sub3A = arith.subf %broadcast_in_dim3A_27, %mul3A_17 : vector<1x8xf32>
    %add3A = vector.broadcast %sub3A : vector<1x8xf32> to vector<8x8xf32>
    %add3A_28 = arith.addf %add3A, %reduce_sum3A_9 : vector<8x8xf32>
    %convert_element_type3A_29 = arith.fptosi %add3A_28 : vector<8x8xf32> to vector<8x8xi32>
    %transpose3A = tpu.transpose %convert_element_type3A_29, [1, 0] : vector<8x8xi32> -> vector<8x8xi32>
    %get3A_30 = arith.constant 0 : index
    %get3A_31 = arith.constant 0 : index
    %get3A_32 = vector.load %arg1[%get3A_30, %get3A_31] : memref<2x4096xi32, #tpu.memory_space<vmem>>, vector<2x4096xi32>
    %get3A_33 = arith.constant 0 : index
    %get3A_34 = arith.constant 0 : index
    %get3A_35 = vector.load %arg2[%get3A_33, %get3A_34] : memref<2x4096xi32, #tpu.memory_space<vmem>>, vector<2x4096xi32>
    %iota3A_36 = tpu.iota {dimensions = array<i32: 1>} : vector<8x4096xi32>
    %jit3A = arith.constant 512 : i32
    %div3A_37 = vector.broadcast %jit3A : i32 to vector<8x4096xi32>
    %div3A_38 = arith.divsi %iota3A_36, %div3A_37 : vector<8x4096xi32>
    %sign3A = arith.constant 0 : i32
    %sign3A_39 = vector.broadcast %sign3A : i32 to vector<8x4096xi32>
    %sign3A_40 = arith.cmpi sgt, %iota3A_36, %sign3A_39 : vector<8x4096xi32>
    %sign3A_41 = arith.extui %sign3A_40 : vector<8x4096xi1> to vector<8x4096xi32>
    %sign3A_42 = arith.constant 0 : i32
    %sign3A_43 = vector.broadcast %sign3A_42 : i32 to vector<8x4096xi32>
    %sign3A_44 = arith.cmpi slt, %iota3A_36, %sign3A_43 : vector<8x4096xi32>
    %sign3A_45 = arith.extui %sign3A_44 : vector<8x4096xi1> to vector<8x4096xi32>
    %sign3A_46 = arith.subi %sign3A_41, %sign3A_45 : vector<8x4096xi32>
    %sign3A_47 = arith.constant 0 : i32
    %sign3A_48 = arith.cmpi sgt, %jit3A, %sign3A_47 : i32
    %sign3A_49 = arith.extui %sign3A_48 : i1 to i32
    %sign3A_50 = arith.constant 0 : i32
    %sign3A_51 = arith.cmpi slt, %jit3A, %sign3A_50 : i32
    %sign3A_52 = arith.extui %sign3A_51 : i1 to i32
    %sign3A_53 = arith.subi %sign3A_49, %sign3A_52 : i32
    %ne3A = vector.broadcast %sign3A_53 : i32 to vector<8x4096xi32>
    %ne3A_54 = arith.cmpi ne, %sign3A_46, %ne3A : vector<8x4096xi32>
    %rem3A = vector.broadcast %jit3A : i32 to vector<8x4096xi32>
    %rem3A_55 = arith.remsi %iota3A_36, %rem3A : vector<8x4096xi32>
    %ne3A_56 = arith.constant 0 : i32
    %ne3A_57 = vector.broadcast %ne3A_56 : i32 to vector<8x4096xi32>
    %ne3A_58 = arith.cmpi ne, %rem3A_55, %ne3A_57 : vector<8x4096xi32>
    %and3A = arith.andi %ne3A_54, %ne3A_58 : vector<8x4096xi1>
    %sub3A_59 = arith.constant 1 : i32
    %sub3A_60 = vector.broadcast %sub3A_59 : i32 to vector<8x4096xi32>
    %sub3A_61 = arith.subi %div3A_38, %sub3A_60 : vector<8x4096xi32>
    %select_n3A = arith.select %and3A, %sub3A_61, %div3A_38 : vector<8x4096xi1>, vector<8x4096xi32>
    %broadcast_in_dim3A_62 = arith.constant 0 : i32
    %broadcast_in_dim3A_63 = vector.broadcast %broadcast_in_dim3A_62 : i32 to vector<8x4096xi32>
    %eq3A = arith.constant 0 : i32
    %eq3A_64 = vector.broadcast %eq3A : i32 to vector<8x4096xi32>
    %eq3A_65 = arith.cmpi eq, %select_n3A, %eq3A_64 : vector<8x4096xi32>
    %slice3A = vector.extract_strided_slice %transpose3A {offsets = [0, 0], sizes = [8, 1], strides = [1, 1]} : vector<8x8xi32> to vector<8x1xi32>
    %broadcast_in_dim3A_66 = vector.shape_cast %slice3A : vector<8x1xi32> to vector<8x1xi32>
    %broadcast_in_dim3A_67 = vector.broadcast %broadcast_in_dim3A_66 : vector<8x1xi32> to vector<8x4096xi32>
    %select_n3A_68 = arith.select %eq3A_65, %broadcast_in_dim3A_67, %broadcast_in_dim3A_63 : vector<8x4096xi1>, vector<8x4096xi32>
    %eq3A_69 = arith.constant 1 : i32
    %eq3A_70 = vector.broadcast %eq3A_69 : i32 to vector<8x4096xi32>
    %eq3A_71 = arith.cmpi eq, %select_n3A, %eq3A_70 : vector<8x4096xi32>
    %slice3A_72 = vector.extract_strided_slice %transpose3A {offsets = [0, 1], sizes = [8, 1], strides = [1, 1]} : vector<8x8xi32> to vector<8x1xi32>
    %broadcast_in_dim3A_73 = vector.shape_cast %slice3A_72 : vector<8x1xi32> to vector<8x1xi32>
    %broadcast_in_dim3A_74 = vector.broadcast %broadcast_in_dim3A_73 : vector<8x1xi32> to vector<8x4096xi32>
    %select_n3A_75 = arith.select %eq3A_71, %broadcast_in_dim3A_74, %select_n3A_68 : vector<8x4096xi1>, vector<8x4096xi32>
    %eq3A_76 = arith.constant 2 : i32
    %eq3A_77 = vector.broadcast %eq3A_76 : i32 to vector<8x4096xi32>
    %eq3A_78 = arith.cmpi eq, %select_n3A, %eq3A_77 : vector<8x4096xi32>
    %slice3A_79 = vector.extract_strided_slice %transpose3A {offsets = [0, 2], sizes = [8, 1], strides = [1, 1]} : vector<8x8xi32> to vector<8x1xi32>
    %broadcast_in_dim3A_80 = vector.shape_cast %slice3A_79 : vector<8x1xi32> to vector<8x1xi32>
    %broadcast_in_dim3A_81 = vector.broadcast %broadcast_in_dim3A_80 : vector<8x1xi32> to vector<8x4096xi32>
    %select_n3A_82 = arith.select %eq3A_78, %broadcast_in_dim3A_81, %select_n3A_75 : vector<8x4096xi1>, vector<8x4096xi32>
    %eq3A_83 = arith.constant 3 : i32
    %eq3A_84 = vector.broadcast %eq3A_83 : i32 to vector<8x4096xi32>
    %eq3A_85 = arith.cmpi eq, %select_n3A, %eq3A_84 : vector<8x4096xi32>
    %slice3A_86 = vector.extract_strided_slice %transpose3A {offsets = [0, 3], sizes = [8, 1], strides = [1, 1]} : vector<8x8xi32> to vector<8x1xi32>
    %broadcast_in_dim3A_87 = vector.shape_cast %slice3A_86 : vector<8x1xi32> to vector<8x1xi32>
    %broadcast_in_dim3A_88 = vector.broadcast %broadcast_in_dim3A_87 : vector<8x1xi32> to vector<8x4096xi32>
    %select_n3A_89 = arith.select %eq3A_85, %broadcast_in_dim3A_88, %select_n3A_82 : vector<8x4096xi1>, vector<8x4096xi32>
    %eq3A_90 = arith.constant 4 : i32
    %eq3A_91 = vector.broadcast %eq3A_90 : i32 to vector<8x4096xi32>
    %eq3A_92 = arith.cmpi eq, %select_n3A, %eq3A_91 : vector<8x4096xi32>
    %slice3A_93 = vector.extract_strided_slice %transpose3A {offsets = [0, 4], sizes = [8, 1], strides = [1, 1]} : vector<8x8xi32> to vector<8x1xi32>
    %broadcast_in_dim3A_94 = vector.shape_cast %slice3A_93 : vector<8x1xi32> to vector<8x1xi32>
    %broadcast_in_dim3A_95 = vector.broadcast %broadcast_in_dim3A_94 : vector<8x1xi32> to vector<8x4096xi32>
    %select_n3A_96 = arith.select %eq3A_92, %broadcast_in_dim3A_95, %select_n3A_89 : vector<8x4096xi1>, vector<8x4096xi32>
    %eq3A_97 = arith.constant 5 : i32
    %eq3A_98 = vector.broadcast %eq3A_97 : i32 to vector<8x4096xi32>
    %eq3A_99 = arith.cmpi eq, %select_n3A, %eq3A_98 : vector<8x4096xi32>
    %slice3A_100 = vector.extract_strided_slice %transpose3A {offsets = [0, 5], sizes = [8, 1], strides = [1, 1]} : vector<8x8xi32> to vector<8x1xi32>
    %broadcast_in_dim3A_101 = vector.shape_cast %slice3A_100 : vector<8x1xi32> to vector<8x1xi32>
    %broadcast_in_dim3A_102 = vector.broadcast %broadcast_in_dim3A_101 : vector<8x1xi32> to vector<8x4096xi32>
    %select_n3A_103 = arith.select %eq3A_99, %broadcast_in_dim3A_102, %select_n3A_96 : vector<8x4096xi1>, vector<8x4096xi32>
    %eq3A_104 = arith.constant 6 : i32
    %eq3A_105 = vector.broadcast %eq3A_104 : i32 to vector<8x4096xi32>
    %eq3A_106 = arith.cmpi eq, %select_n3A, %eq3A_105 : vector<8x4096xi32>
    %slice3A_107 = vector.extract_strided_slice %transpose3A {offsets = [0, 6], sizes = [8, 1], strides = [1, 1]} : vector<8x8xi32> to vector<8x1xi32>
    %broadcast_in_dim3A_108 = vector.shape_cast %slice3A_107 : vector<8x1xi32> to vector<8x1xi32>
    %broadcast_in_dim3A_109 = vector.broadcast %broadcast_in_dim3A_108 : vector<8x1xi32> to vector<8x4096xi32>
    %select_n3A_110 = arith.select %eq3A_106, %broadcast_in_dim3A_109, %select_n3A_103 : vector<8x4096xi1>, vector<8x4096xi32>
    %eq3A_111 = arith.constant 7 : i32
    %eq3A_112 = vector.broadcast %eq3A_111 : i32 to vector<8x4096xi32>
    %eq3A_113 = arith.cmpi eq, %select_n3A, %eq3A_112 : vector<8x4096xi32>
    %slice3A_114 = vector.extract_strided_slice %transpose3A {offsets = [0, 7], sizes = [8, 1], strides = [1, 1]} : vector<8x8xi32> to vector<8x1xi32>
    %broadcast_in_dim3A_115 = vector.shape_cast %slice3A_114 : vector<8x1xi32> to vector<8x1xi32>
    %broadcast_in_dim3A_116 = vector.broadcast %broadcast_in_dim3A_115 : vector<8x1xi32> to vector<8x4096xi32>
    %select_n3A_117 = arith.select %eq3A_113, %broadcast_in_dim3A_116, %select_n3A_110 : vector<8x4096xi1>, vector<8x4096xi32>
    %iota3A_118 = tpu.iota {dimensions = array<i32: 0>} : vector<8x4096xi32>
    %slice3A_119 = vector.extract_strided_slice %get3A_32 {offsets = [0, 0], sizes = [1, 4096], strides = [1, 1]} : vector<2x4096xi32> to vector<1x4096xi32>
    %eq3A_120 = vector.broadcast %slice3A_119 : vector<1x4096xi32> to vector<8x4096xi32>
    %eq3A_121 = arith.cmpi eq, %iota3A_118, %eq3A_120 : vector<8x4096xi32>
    %jit3A_122 = arith.constant 0 : i32
    %broadcast_in_dim3A_123 = vector.broadcast %jit3A_122 : i32 to vector<8x4096xi32>
    %select_n3A_124 = arith.select %eq3A_121, %select_n3A_117, %broadcast_in_dim3A_123 : vector<8x4096xi1>, vector<8x4096xi32>
    %reduce_sum3A_125 = arith.constant dense<0> : vector<4096xi32>
    %reduce_sum3A_126 = vector.multi_reduction <add>, %select_n3A_124, %reduce_sum3A_125 [0] : vector<8x4096xi32> to vector<4096xi32>
    %broadcast_in_dim3A_127 = vector.shape_cast %reduce_sum3A_126 : vector<4096xi32> to vector<1x4096xi32>
    %slice3A_128 = vector.extract_strided_slice %get3A_32 {offsets = [1, 0], sizes = [1, 4096], strides = [1, 1]} : vector<2x4096xi32> to vector<1x4096xi32>
    %eq3A_129 = vector.broadcast %slice3A_128 : vector<1x4096xi32> to vector<8x4096xi32>
    %eq3A_130 = arith.cmpi eq, %iota3A_118, %eq3A_129 : vector<8x4096xi32>
    %jit3A_131 = arith.constant 0 : i32
    %broadcast_in_dim3A_132 = vector.broadcast %jit3A_131 : i32 to vector<8x4096xi32>
    %select_n3A_133 = arith.select %eq3A_130, %select_n3A_117, %broadcast_in_dim3A_132 : vector<8x4096xi1>, vector<8x4096xi32>
    %reduce_sum3A_134 = arith.constant dense<0> : vector<4096xi32>
    %reduce_sum3A_135 = vector.multi_reduction <add>, %select_n3A_133, %reduce_sum3A_134 [0] : vector<8x4096xi32> to vector<4096xi32>
    %broadcast_in_dim3A_136 = vector.shape_cast %reduce_sum3A_135 : vector<4096xi32> to vector<1x4096xi32>
    %concatenate3A = tpu.concatenate %broadcast_in_dim3A_127, %broadcast_in_dim3A_136 in 0 : vector<1x4096xi32>, vector<1x4096xi32> -> vector<2x4096xi32>
    %add3A_137 = arith.addi %concatenate3A, %get3A_35 : vector<2x4096xi32>
    %swap3A = arith.constant 0 : index
    %swap3A_138 = arith.constant 0 : index
    %swap3A_139 = vector.load %arg3[%swap3A, %swap3A_138] : memref<2x4096xi32, #tpu.memory_space<vmem>>, vector<2x4096xi32>
    tpu.vector_store %arg3[%swap3A, %swap3A_138], %add3A_137 {strides = array<i32>} : memref<2x4096xi32, #tpu.memory_space<vmem>>, vector<2x4096xi32>,
    %iota3A_140 = tpu.iota {dimensions = array<i32: 0>} : vector<40x1xi32>
    %mul3A_141 = arith.constant 256 : i32
    %mul3A_142 = vector.broadcast %mul3A_141 : i32 to vector<40x1xi32>
    %mul3A_143 = arith.muli %iota3A_140, %mul3A_142 : vector<40x1xi32>
    %convert_element_type3A_144 = arith.sitofp %mul3A_143 : vector<40x1xi32> to vector<40x1xf32>
    %le3A_145 = vector.broadcast %broadcast_in_dim3A_27 : vector<1x8xf32> to vector<40x8xf32>
    %le3A_146 = vector.broadcast %convert_element_type3A_144 : vector<40x1xf32> to vector<40x8xf32>
    %le3A_147 = arith.cmpf ole, %le3A_145, %le3A_146 : vector<40x8xf32>
    %convert_element_type3A_148 = arith.extui %le3A_147 : vector<40x8xi1> to vector<40x8xi32>
    %convert_element_type3A_149 = arith.sitofp %convert_element_type3A_148 : vector<40x8xi32> to vector<40x8xf32>
    %reduce_sum3A_150 = arith.constant dense<0.000000e+00> : vector<40xf32>
    %reduce_sum3A_151 = vector.multi_reduction <add>, %convert_element_type3A_149, %reduce_sum3A_150 [1] : vector<40x8xf32> to vector<40xf32>
    %broadcast_in_dim3A_152 = vector.shape_cast %reduce_sum3A_151 : vector<40xf32> to vector<40x1xf32>
    %min3A = arith.constant 7.000000e+00 : f32
    %min3A_153 = vector.broadcast %min3A : f32 to vector<40x1xf32>
    %min3A_154 = arith.minimumf %broadcast_in_dim3A_152, %min3A_153 : vector<40x1xf32>
    %convert_element_type3A_155 = arith.fptosi %min3A_154 : vector<40x1xf32> to vector<40x1xi32>
    %swap3A_156 = arith.constant 0 : index
    %swap3A_157 = arith.constant 0 : index
    %swap3A_158 = vector.load %arg4[%swap3A_156, %swap3A_157] : memref<40x1xi32, #tpu.memory_space<vmem>>, vector<40x1xi32>
    tpu.vector_store %arg4[%swap3A_156, %swap3A_157], %convert_element_type3A_155 {strides = array<i32>} : memref<40x1xi32, #tpu.memory_space<vmem>>, vector<40x1xi32>,
    return
  }
}

module attributes {stable_mosaic.version = 14 : i64} {
  func.func @_gffn_body(%arg0: i32, %arg1: memref<40xi32, #tpu.memory_space<smem>>, %arg2: memref<256x512xf32, #tpu.memory_space<vmem>>, %arg3: memref<1x1024x1024xbf16, #tpu.memory_space<vmem>>, %arg4: memref<1x1x1024xf32, #tpu.memory_space<vmem>>, %arg5: memref<1x1024x1024xbf16, #tpu.memory_space<vmem>>, %arg6: memref<1x1x1024xf32, #tpu.memory_space<vmem>>, %arg7: memref<256x512xf32, #tpu.memory_space<vmem>>) attributes {dimension_semantics = [#tpu.dimension_semantics<arbitrary>], iteration_bounds = array<i64: 40>, scalar_prefetch = 1 : i64, scratch_operands = 0 : i64, tpu.core_type = #tpu.core_type<tc>, window_params = [{transform_indices = @transform_0, window_bounds = array<i64: 256, 512>}, {transform_indices = @transform_1, window_bounds = array<i64: 1, 1024, 1024>}, {transform_indices = @transform_2, window_bounds = array<i64: 1, 1, 1024>}, {transform_indices = @transform_3, window_bounds = array<i64: 1, 1024, 1024>}, {transform_indices = @transform_4, window_bounds = array<i64: 1, 1, 1024>}, {transform_indices = @transform_5, window_bounds = array<i64: 256, 512>}]} {
    %get3A = arith.constant 0 : index
    %get3A_0 = arith.constant 0 : index
    %get3A_1 = vector.load %arg2[%get3A, %get3A_0] : memref<256x512xf32, #tpu.memory_space<vmem>>, vector<256x512xf32>
    %bitcast_convert_type3A = tpu.bitcast %get3A_1 : vector<256x512xf32> -> vector<256x512xi32>
    %shift_left3A = arith.constant 16 : i32
    %shift_left3A_2 = vector.broadcast %shift_left3A : i32 to vector<256x512xi32>
    %shift_left3A_3 = arith.shli %bitcast_convert_type3A, %shift_left3A_2 : vector<256x512xi32>
    %bitcast_convert_type3A_4 = tpu.bitcast %shift_left3A_3 : vector<256x512xi32> -> vector<256x512xf32>
    %and3A = arith.constant -65536 : i32
    %and3A_5 = vector.broadcast %and3A : i32 to vector<256x512xi32>
    %and3A_6 = arith.andi %bitcast_convert_type3A, %and3A_5 : vector<256x512xi32>
    %bitcast_convert_type3A_7 = tpu.bitcast %and3A_6 : vector<256x512xi32> -> vector<256x512xf32>
    %convert_element_type3A = arith.truncf %bitcast_convert_type3A_4 : vector<256x512xf32> to vector<256x512xbf16>
    %convert_element_type3A_8 = arith.truncf %bitcast_convert_type3A_7 : vector<256x512xf32> to vector<256x512xbf16>
    %get3A_9 = arith.constant 0 : index
    %get3A_10 = arith.constant 0 : index
    %get3A_11 = arith.constant 0 : index
    %get3A_12 = vector.load %arg3[%get3A_9, %get3A_10, %get3A_11] : memref<1x1024x1024xbf16, #tpu.memory_space<vmem>>, vector<1x512x1024xbf16>
    %get3A_13 = vector.shape_cast %get3A_12 : vector<1x512x1024xbf16> to vector<512x1024xbf16>
    %dot_general3A = arith.constant dense<0.000000e+00> : vector<256x1024xf32>
    %dot_general3A_14 = tpu.matmul %convert_element_type3A, %get3A_13, %dot_general3A {dimension_numbers = #tpu.dot_dimension_numbers<[1], [0], [0], [1], [0, 0, 1, 1], [], []>, transpose_lhs_hint = false} : vector<256x512xbf16>, vector<512x1024xbf16>, vector<256x1024xf32> -> vector<256x1024xf32>
    %get3A_15 = arith.constant 0 : index
    %get3A_16 = arith.constant 512 : index
    %get3A_17 = arith.constant 0 : index
    %get3A_18 = vector.load %arg3[%get3A_15, %get3A_16, %get3A_17] : memref<1x1024x1024xbf16, #tpu.memory_space<vmem>>, vector<1x512x1024xbf16>
    %get3A_19 = vector.shape_cast %get3A_18 : vector<1x512x1024xbf16> to vector<512x1024xbf16>
    %dot_general3A_20 = arith.constant dense<0.000000e+00> : vector<256x1024xf32>
    %dot_general3A_21 = tpu.matmul %convert_element_type3A_8, %get3A_19, %dot_general3A_20 {dimension_numbers = #tpu.dot_dimension_numbers<[1], [0], [0], [1], [0, 0, 1, 1], [], []>, transpose_lhs_hint = false} : vector<256x512xbf16>, vector<512x1024xbf16>, vector<256x1024xf32> -> vector<256x1024xf32>
    %add3A = arith.addf %dot_general3A_14, %dot_general3A_21 : vector<256x1024xf32>
    %get3A_22 = arith.constant 0 : index
    %get3A_23 = arith.constant 0 : index
    %get3A_24 = arith.constant 0 : index
    %get3A_25 = vector.load %arg4[%get3A_22, %get3A_23, %get3A_24] : memref<1x1x1024xf32, #tpu.memory_space<vmem>>, vector<1x1x1024xf32>
    %get3A_26 = vector.shape_cast %get3A_25 : vector<1x1x1024xf32> to vector<1x1024xf32>
    %add3A_27 = vector.broadcast %get3A_26 : vector<1x1024xf32> to vector<256x1024xf32>
    %add3A_28 = arith.addf %add3A, %add3A_27 : vector<256x1024xf32>
    %max3A = arith.constant 0.000000e+00 : f32
    %max3A_29 = vector.broadcast %max3A : f32 to vector<256x1024xf32>
    %max3A_30 = arith.maximumf %add3A_28, %max3A_29 : vector<256x1024xf32>
    %convert_element_type3A_31 = arith.truncf %max3A_30 : vector<256x1024xf32> to vector<256x1024xbf16>
    %get3A_32 = arith.constant 0 : index
    %get3A_33 = arith.constant 0 : index
    %get3A_34 = arith.constant 0 : index
    %get3A_35 = vector.load %arg5[%get3A_32, %get3A_33, %get3A_34] : memref<1x1024x1024xbf16, #tpu.memory_space<vmem>>, vector<1x1024x1024xbf16>
    %get3A_36 = vector.shape_cast %get3A_35 : vector<1x1024x1024xbf16> to vector<1024x1024xbf16>
    %dot_general3A_37 = arith.constant dense<0.000000e+00> : vector<256x1024xf32>
    %dot_general3A_38 = tpu.matmul %convert_element_type3A_31, %get3A_36, %dot_general3A_37 {dimension_numbers = #tpu.dot_dimension_numbers<[1], [0], [0], [1], [0, 0, 1, 1], [], []>, transpose_lhs_hint = false} : vector<256x1024xbf16>, vector<1024x1024xbf16>, vector<256x1024xf32> -> vector<256x1024xf32>
    %get3A_39 = arith.constant 0 : index
    %get3A_40 = arith.constant 0 : index
    %get3A_41 = arith.constant 0 : index
    %get3A_42 = vector.load %arg6[%get3A_39, %get3A_40, %get3A_41] : memref<1x1x1024xf32, #tpu.memory_space<vmem>>, vector<1x1x1024xf32>
    %get3A_43 = vector.shape_cast %get3A_42 : vector<1x1x1024xf32> to vector<1x1024xf32>
    %add3A_44 = vector.broadcast %get3A_43 : vector<1x1024xf32> to vector<256x1024xf32>
    %add3A_45 = arith.addf %dot_general3A_38, %add3A_44 : vector<256x1024xf32>
    %slice3A = vector.extract_strided_slice %add3A_45 {offsets = [0, 0], sizes = [256, 512], strides = [1, 1]} : vector<256x1024xf32> to vector<256x512xf32>
    %convert_element_type3A_46 = arith.truncf %slice3A : vector<256x512xf32> to vector<256x512xbf16>
    %bitcast_convert_type3A_47 = tpu.bitcast %convert_element_type3A_46 : vector<256x512xbf16> -> vector<256x512xi16>
    %slice3A_48 = vector.extract_strided_slice %add3A_45 {offsets = [0, 512], sizes = [256, 512], strides = [1, 1]} : vector<256x1024xf32> to vector<256x512xf32>
    %convert_element_type3A_49 = arith.truncf %slice3A_48 : vector<256x512xf32> to vector<256x512xbf16>
    %bitcast_convert_type3A_50 = tpu.bitcast %convert_element_type3A_49 : vector<256x512xbf16> -> vector<256x512xi16>
    %convert_element_type3A_51 = arith.extui %bitcast_convert_type3A_47 : vector<256x512xi16> to vector<256x512xi32>
    %convert_element_type3A_52 = arith.extui %bitcast_convert_type3A_50 : vector<256x512xi16> to vector<256x512xi32>
    %shift_left3A_53 = arith.constant 16 : i32
    %shift_left3A_54 = vector.broadcast %shift_left3A_53 : i32 to vector<256x512xi32>
    %shift_left3A_55 = arith.shli %convert_element_type3A_52, %shift_left3A_54 : vector<256x512xi32>
    %or3A = arith.ori %convert_element_type3A_51, %shift_left3A_55 : vector<256x512xi32>
    %bitcast_convert_type3A_56 = tpu.bitcast %or3A : vector<256x512xi32> -> vector<256x512xf32>
    %swap3A = arith.constant 0 : index
    %swap3A_57 = arith.constant 0 : index
    %swap3A_58 = vector.load %arg7[%swap3A, %swap3A_57] : memref<256x512xf32, #tpu.memory_space<vmem>>, vector<256x512xf32>
    tpu.vector_store %arg7[%swap3A, %swap3A_57], %bitcast_convert_type3A_56 {strides = array<i32>} : memref<256x512xf32, #tpu.memory_space<vmem>>, vector<256x512xf32>,
    return
  }
  func.func @transform_0(%arg0: i32, %arg1: memref<40xi32, #tpu.memory_space<smem>>) -> (i32, i32) {
    %c0_i32 = arith.constant 0 : i32
    %c0_i32_0 = arith.constant 0 : i32
    return %arg0, %c0_i32 : i32, i32
  }
  func.func @transform_1(%arg0: i32, %arg1: memref<40xi32, #tpu.memory_space<smem>>) -> (i32, i32, i32) {
    %get3A = arith.index_cast %arg0 : i32 to index
    %get3A_0 = memref.load %arg1[%get3A] : memref<40xi32, #tpu.memory_space<smem>>
    %c0_i32 = arith.constant 0 : i32
    %c0_i32_1 = arith.constant 0 : i32
    %c0_i32_2 = arith.constant 0 : i32
    return %get3A_0, %c0_i32, %c0_i32_1 : i32, i32, i32
  }
  func.func @transform_2(%arg0: i32, %arg1: memref<40xi32, #tpu.memory_space<smem>>) -> (i32, i32, i32) {
    %get3A = arith.index_cast %arg0 : i32 to index
    %get3A_0 = memref.load %arg1[%get3A] : memref<40xi32, #tpu.memory_space<smem>>
    %c0_i32 = arith.constant 0 : i32
    %c0_i32_1 = arith.constant 0 : i32
    %c0_i32_2 = arith.constant 0 : i32
    return %get3A_0, %c0_i32, %c0_i32_1 : i32, i32, i32
  }
  func.func @transform_3(%arg0: i32, %arg1: memref<40xi32, #tpu.memory_space<smem>>) -> (i32, i32, i32) {
    %get3A = arith.index_cast %arg0 : i32 to index
    %get3A_0 = memref.load %arg1[%get3A] : memref<40xi32, #tpu.memory_space<smem>>
    %c0_i32 = arith.constant 0 : i32
    %c0_i32_1 = arith.constant 0 : i32
    %c0_i32_2 = arith.constant 0 : i32
    return %get3A_0, %c0_i32, %c0_i32_1 : i32, i32, i32
  }
  func.func @transform_4(%arg0: i32, %arg1: memref<40xi32, #tpu.memory_space<smem>>) -> (i32, i32, i32) {
    %get3A = arith.index_cast %arg0 : i32 to index
    %get3A_0 = memref.load %arg1[%get3A] : memref<40xi32, #tpu.memory_space<smem>>
    %c0_i32 = arith.constant 0 : i32
    %c0_i32_1 = arith.constant 0 : i32
    %c0_i32_2 = arith.constant 0 : i32
    return %get3A_0, %c0_i32, %c0_i32_1 : i32, i32, i32
  }
  func.func @transform_5(%arg0: i32, %arg1: memref<40xi32, #tpu.memory_space<smem>>) -> (i32, i32) {
    %c0_i32 = arith.constant 0 : i32
    %c0_i32_0 = arith.constant 0 : i32
    return %arg0, %c0_i32 : i32, i32
  }
}

module attributes {stable_mosaic.version = 14 : i64} {
  func.func @_wconv_body(%arg0: i32, %arg1: memref<1x1024x1024xf32, #tpu.memory_space<vmem>>, %arg2: memref<1x1024x1024xbf16, #tpu.memory_space<vmem>>) attributes {dimension_semantics = [#tpu.dimension_semantics<arbitrary>], iteration_bounds = array<i64: 8>, scalar_prefetch = 0 : i64, scratch_operands = 0 : i64, tpu.core_type = #tpu.core_type<tc>, window_params = [{transform_indices = @transform_0, window_bounds = array<i64: 1, 1024, 1024>}, {transform_indices = @transform_1, window_bounds = array<i64: 1, 1024, 1024>}]} {
    %get3A = arith.constant 0 : index
    %get3A_0 = arith.constant 0 : index
    %get3A_1 = arith.constant 0 : index
    %get3A_2 = vector.load %arg1[%get3A, %get3A_0, %get3A_1] : memref<1x1024x1024xf32, #tpu.memory_space<vmem>>, vector<1x1024x1024xf32>
    %convert_element_type3A = arith.truncf %get3A_2 : vector<1x1024x1024xf32> to vector<1x1024x1024xbf16>
    %swap3A = arith.constant 0 : index
    %swap3A_3 = arith.constant 0 : index
    %swap3A_4 = arith.constant 0 : index
    %swap3A_5 = vector.load %arg2[%swap3A, %swap3A_3, %swap3A_4] : memref<1x1024x1024xbf16, #tpu.memory_space<vmem>>, vector<1x1024x1024xbf16>
    tpu.vector_store %arg2[%swap3A, %swap3A_3, %swap3A_4], %convert_element_type3A {strides = array<i32>} : memref<1x1024x1024xbf16, #tpu.memory_space<vmem>>, vector<1x1024x1024xbf16>,
    return
  }
  func.func @transform_0(%arg0: i32) -> (i32, i32, i32) {
    %c0_i32 = arith.constant 0 : i32
    %c0_i32_0 = arith.constant 0 : i32
    %c0_i32_1 = arith.constant 0 : i32
    return %arg0, %c0_i32, %c0_i32_0 : i32, i32, i32
  }
  func.func @transform_1(%arg0: i32) -> (i32, i32, i32) {
    %c0_i32 = arith.constant 0 : i32
    %c0_i32_0 = arith.constant 0 : i32
    %c0_i32_1 = arith.constant 0 : i32
    return %arg0, %c0_i32, %c0_i32_0 : i32, i32, i32
  }
}

module attributes {stable_mosaic.version = 14 : i64} {
  func.func @_gating_body(%arg0: i32, %arg1: memref<512x1024xf32, #tpu.memory_space<vmem>>, %arg2: memref<1024x8xf32, #tpu.memory_space<vmem>>, %arg3: memref<1x8xf32, #tpu.memory_space<vmem>>, %arg4: memref<1x1024x1024xf32, #tpu.memory_space<vmem>>, %arg5: memref<512x8xf32, #tpu.memory_space<vmem>>, %arg6: memref<512x2xi32, #tpu.memory_space<vmem>>, %arg7: memref<512x2xf32, #tpu.memory_space<vmem>>, %arg8: memref<2x512xi32, #tpu.memory_space<vmem>>, %arg9: memref<2x512xi32, #tpu.memory_space<vmem>>, %arg10: memref<1x1x8xi32, #tpu.memory_space<vmem>>, %arg11: memref<512x512xf32, #tpu.memory_space<vmem>>, %arg12: memref<1x1024x1024xbf16, #tpu.memory_space<vmem>>) attributes {dimension_semantics = [#tpu.dimension_semantics<arbitrary>], iteration_bounds = array<i64: 8>, scalar_prefetch = 0 : i64, scratch_operands = 0 : i64, tpu.core_type = #tpu.core_type<tc>, window_params = [{transform_indices = @transform_0, window_bounds = array<i64: 512, 1024>}, {pipeline_mode = #tpu.pipeline_mode<synchronous>, transform_indices = @transform_1, window_bounds = array<i64: 1024, 8>}, {pipeline_mode = #tpu.pipeline_mode<synchronous>, transform_indices = @transform_2, window_bounds = array<i64: 1, 8>}, {transform_indices = @transform_3, window_bounds = array<i64: 1, 1024, 1024>}, {transform_indices = @transform_4, window_bounds = array<i64: 512, 8>}, {transform_indices = @transform_5, window_bounds = array<i64: 512, 2>}, {transform_indices = @transform_6, window_bounds = array<i64: 512, 2>}, {transform_indices = @transform_7, window_bounds = array<i64: 2, 512>}, {transform_indices = @transform_8, window_bounds = array<i64: 2, 512>}, {transform_indices = @transform_9, window_bounds = array<i64: 1, 1, 8>}, {transform_indices = @transform_10, window_bounds = array<i64: 512, 512>}, {transform_indices = @transform_11, window_bounds = array<i64: 1, 1024, 1024>}]} {
    %get3A = arith.constant 0 : index
    %get3A_0 = arith.constant 0 : index
    %get3A_1 = arith.constant 0 : index
    %get3A_2 = vector.load %arg4[%get3A, %get3A_0, %get3A_1] : memref<1x1024x1024xf32, #tpu.memory_space<vmem>>, vector<1x1024x1024xf32>
    %convert_element_type3A = arith.truncf %get3A_2 : vector<1x1024x1024xf32> to vector<1x1024x1024xbf16>
    %swap3A = arith.constant 0 : index
    %swap3A_3 = arith.constant 0 : index
    %swap3A_4 = arith.constant 0 : index
    %swap3A_5 = vector.load %arg12[%swap3A, %swap3A_3, %swap3A_4] : memref<1x1024x1024xbf16, #tpu.memory_space<vmem>>, vector<1x1024x1024xbf16>
    tpu.vector_store %arg12[%swap3A, %swap3A_3, %swap3A_4], %convert_element_type3A {strides = array<i32>} : memref<1x1024x1024xbf16, #tpu.memory_space<vmem>>, vector<1x1024x1024xbf16>,
    %get3A_6 = arith.constant 0 : index
    %get3A_7 = arith.constant 0 : index
    %get3A_8 = vector.load %arg1[%get3A_6, %get3A_7] : memref<512x1024xf32, #tpu.memory_space<vmem>>, vector<512x1024xf32>
    %slice3A = vector.extract_strided_slice %get3A_8 {offsets = [0, 0], sizes = [512, 512], strides = [1, 1]} : vector<512x1024xf32> to vector<512x512xf32>
    %convert_element_type3A_9 = arith.truncf %slice3A : vector<512x512xf32> to vector<512x512xbf16>
    %bitcast_convert_type3A = tpu.bitcast %convert_element_type3A_9 : vector<512x512xbf16> -> vector<512x512xi16>
    %slice3A_10 = vector.extract_strided_slice %get3A_8 {offsets = [0, 512], sizes = [512, 512], strides = [1, 1]} : vector<512x1024xf32> to vector<512x512xf32>
    %convert_element_type3A_11 = arith.truncf %slice3A_10 : vector<512x512xf32> to vector<512x512xbf16>
    %bitcast_convert_type3A_12 = tpu.bitcast %convert_element_type3A_11 : vector<512x512xbf16> -> vector<512x512xi16>
    %convert_element_type3A_13 = arith.extui %bitcast_convert_type3A : vector<512x512xi16> to vector<512x512xi32>
    %convert_element_type3A_14 = arith.extui %bitcast_convert_type3A_12 : vector<512x512xi16> to vector<512x512xi32>
    %shift_left3A = arith.constant 16 : i32
    %shift_left3A_15 = vector.broadcast %shift_left3A : i32 to vector<512x512xi32>
    %shift_left3A_16 = arith.shli %convert_element_type3A_14, %shift_left3A_15 : vector<512x512xi32>
    %or3A = arith.ori %convert_element_type3A_13, %shift_left3A_16 : vector<512x512xi32>
    %bitcast_convert_type3A_17 = tpu.bitcast %or3A : vector<512x512xi32> -> vector<512x512xf32>
    %swap3A_18 = arith.constant 0 : index
    %swap3A_19 = arith.constant 0 : index
    %swap3A_20 = vector.load %arg11[%swap3A_18, %swap3A_19] : memref<512x512xf32, #tpu.memory_space<vmem>>, vector<512x512xf32>
    tpu.vector_store %arg11[%swap3A_18, %swap3A_19], %bitcast_convert_type3A_17 {strides = array<i32>} : memref<512x512xf32, #tpu.memory_space<vmem>>, vector<512x512xf32>,
    %get3A_21 = arith.constant 0 : index
    %get3A_22 = arith.constant 0 : index
    %get3A_23 = vector.load %arg2[%get3A_21, %get3A_22] : memref<1024x8xf32, #tpu.memory_space<vmem>>, vector<1024x8xf32>
    %dot_general3A = arith.constant dense<0.000000e+00> : vector<512x8xf32>
    %dot_general3A_24 = tpu.matmul %get3A_8, %get3A_23, %dot_general3A {dimension_numbers = #tpu.dot_dimension_numbers<[1], [0], [0], [1], [0, 0, 1, 1], [], []>, transpose_lhs_hint = false} : vector<512x1024xf32>, vector<1024x8xf32>, vector<512x8xf32> -> vector<512x8xf32>
    %get3A_25 = arith.constant 0 : index
    %get3A_26 = arith.constant 0 : index
    %get3A_27 = vector.load %arg3[%get3A_25, %get3A_26] : memref<1x8xf32, #tpu.memory_space<vmem>>, vector<1x8xf32>
    %add3A = vector.broadcast %get3A_27 : vector<1x8xf32> to vector<512x8xf32>
    %add3A_28 = arith.addf %dot_general3A_24, %add3A : vector<512x8xf32>
    %reduce_max3A = arith.constant dense<0xFF800000> : vector<512xf32>
    %reduce_max3A_29 = vector.multi_reduction <maximumf>, %add3A_28, %reduce_max3A [1] : vector<512x8xf32> to vector<512xf32>
    %broadcast_in_dim3A = vector.shape_cast %reduce_max3A_29 : vector<512xf32> to vector<512x1xf32>
    %argmax3A = tpu.reduce_index %add3A_28 {axis = 1 : i32, kind = #tpu.reduction_kind<arg_max>} : vector<512x8xf32> -> vector<512xi32>
    %iota3A = tpu.iota {dimensions = array<i32: 1>} : vector<512x8xi32>
    %broadcast_in_dim3A_30 = vector.shape_cast %argmax3A : vector<512xi32> to vector<512x1xi32>
    %eq3A = vector.broadcast %broadcast_in_dim3A_30 : vector<512x1xi32> to vector<512x8xi32>
    %eq3A_31 = arith.cmpi eq, %iota3A, %eq3A : vector<512x8xi32>
    %jit3A = arith.constant 0xFF800000 : f32
    %broadcast_in_dim3A_32 = vector.broadcast %jit3A : f32 to vector<512x8xf32>
    %select_n3A = arith.select %eq3A_31, %broadcast_in_dim3A_32, %add3A_28 : vector<512x8xi1>, vector<512x8xf32>
    %reduce_max3A_33 = arith.constant dense<0xFF800000> : vector<512xf32>
    %reduce_max3A_34 = vector.multi_reduction <maximumf>, %select_n3A, %reduce_max3A_33 [1] : vector<512x8xf32> to vector<512xf32>
    %broadcast_in_dim3A_35 = vector.shape_cast %reduce_max3A_34 : vector<512xf32> to vector<512x1xf32>
    %argmax3A_36 = tpu.reduce_index %select_n3A {axis = 1 : i32, kind = #tpu.reduction_kind<arg_max>} : vector<512x8xf32> -> vector<512xi32>
    %sub3A = vector.broadcast %broadcast_in_dim3A : vector<512x1xf32> to vector<512x8xf32>
    %sub3A_37 = arith.subf %add3A_28, %sub3A : vector<512x8xf32>
    %exp3A = math.exp %sub3A_37 : vector<512x8xf32>
    %reduce_sum3A = arith.constant dense<0.000000e+00> : vector<512xf32>
    %reduce_sum3A_38 = vector.multi_reduction <add>, %exp3A, %reduce_sum3A [1] : vector<512x8xf32> to vector<512xf32>
    %broadcast_in_dim3A_39 = vector.shape_cast %reduce_sum3A_38 : vector<512xf32> to vector<512x1xf32>
    %div3A = vector.broadcast %broadcast_in_dim3A_39 : vector<512x1xf32> to vector<512x8xf32>
    %div3A_40 = arith.divf %exp3A, %div3A : vector<512x8xf32>
    %swap3A_41 = arith.constant 0 : index
    %swap3A_42 = arith.constant 0 : index
    %swap3A_43 = vector.load %arg5[%swap3A_41, %swap3A_42] : memref<512x8xf32, #tpu.memory_space<vmem>>, vector<512x8xf32>
    tpu.vector_store %arg5[%swap3A_41, %swap3A_42], %div3A_40 {strides = array<i32>} : memref<512x8xf32, #tpu.memory_space<vmem>>, vector<512x8xf32>,
    %stack3A = vector.shape_cast %argmax3A : vector<512xi32> to vector<512x1xi32>
    %stack3A_44 = vector.shape_cast %argmax3A_36 : vector<512xi32> to vector<512x1xi32>
    %stack3A_45 = tpu.concatenate %stack3A, %stack3A_44 in 1 : vector<512x1xi32>, vector<512x1xi32> -> vector<512x2xi32>
    %swap3A_46 = arith.constant 0 : index
    %swap3A_47 = arith.constant 0 : index
    %swap3A_48 = vector.load %arg6[%swap3A_46, %swap3A_47] : memref<512x2xi32, #tpu.memory_space<vmem>>, vector<512x2xi32>
    tpu.vector_store %arg6[%swap3A_46, %swap3A_47], %stack3A_45 {strides = array<i32>} : memref<512x2xi32, #tpu.memory_space<vmem>>, vector<512x2xi32>,
    %sub3A_49 = arith.subf %broadcast_in_dim3A_35, %broadcast_in_dim3A : vector<512x1xf32>
    %exp3A_50 = math.exp %sub3A_49 : vector<512x1xf32>
    %add3A_51 = arith.constant 1.000000e+00 : f32
    %add3A_52 = vector.broadcast %add3A_51 : f32 to vector<512x1xf32>
    %add3A_53 = arith.addf %add3A_52, %exp3A_50 : vector<512x1xf32>
    %div3A_54 = arith.constant 1.000000e+00 : f32
    %div3A_55 = vector.broadcast %div3A_54 : f32 to vector<512x1xf32>
    %div3A_56 = arith.divf %div3A_55, %add3A_53 : vector<512x1xf32>
    %add3A_57 = arith.constant 1.000000e+00 : f32
    %add3A_58 = vector.broadcast %add3A_57 : f32 to vector<512x1xf32>
    %add3A_59 = arith.addf %add3A_58, %exp3A_50 : vector<512x1xf32>
    %div3A_60 = arith.divf %exp3A_50, %add3A_59 : vector<512x1xf32>
    %concatenate3A = tpu.concatenate %div3A_56, %div3A_60 in 1 : vector<512x1xf32>, vector<512x1xf32> -> vector<512x2xf32>
    %swap3A_61 = arith.constant 0 : index
    %swap3A_62 = arith.constant 0 : index
    %swap3A_63 = vector.load %arg7[%swap3A_61, %swap3A_62] : memref<512x2xf32, #tpu.memory_space<vmem>>, vector<512x2xf32>
    tpu.vector_store %arg7[%swap3A_61, %swap3A_62], %concatenate3A {strides = array<i32>} : memref<512x2xf32, #tpu.memory_space<vmem>>, vector<512x2xf32>,
    %broadcast_in_dim3A_64 = vector.shape_cast %argmax3A : vector<512xi32> to vector<512x1xi32>
    %eq3A_65 = vector.broadcast %broadcast_in_dim3A_64 : vector<512x1xi32> to vector<512x8xi32>
    %eq3A_66 = arith.cmpi eq, %iota3A, %eq3A_65 : vector<512x8xi32>
    %convert_element_type3A_67 = arith.extui %eq3A_66 : vector<512x8xi1> to vector<512x8xi32>
    %convert_element_type3A_68 = arith.sitofp %convert_element_type3A_67 : vector<512x8xi32> to vector<512x8xf32>
    %broadcast_in_dim3A_69 = vector.shape_cast %argmax3A_36 : vector<512xi32> to vector<512x1xi32>
    %eq3A_70 = vector.broadcast %broadcast_in_dim3A_69 : vector<512x1xi32> to vector<512x8xi32>
    %eq3A_71 = arith.cmpi eq, %iota3A, %eq3A_70 : vector<512x8xi32>
    %convert_element_type3A_72 = arith.extui %eq3A_71 : vector<512x8xi1> to vector<512x8xi32>
    %convert_element_type3A_73 = arith.sitofp %convert_element_type3A_72 : vector<512x8xi32> to vector<512x8xf32>
    %iota3A_74 = tpu.iota {dimensions = array<i32: 0>} : vector<512x512xi32>
    %iota3A_75 = tpu.iota {dimensions = array<i32: 1>} : vector<512x512xi32>
    %gt3A = arith.cmpi sgt, %iota3A_74, %iota3A_75 : vector<512x512xi32>
    %convert_element_type3A_76 = arith.extui %gt3A : vector<512x512xi1> to vector<512x512xi32>
    %convert_element_type3A_77 = arith.sitofp %convert_element_type3A_76 : vector<512x512xi32> to vector<512x512xf32>
    %add3A_78 = arith.addf %convert_element_type3A_68, %convert_element_type3A_73 : vector<512x8xf32>
    %dot_general3A_79 = arith.constant dense<0.000000e+00> : vector<512x8xf32>
    %dot_general3A_80 = tpu.matmul %convert_element_type3A_77, %add3A_78, %dot_general3A_79 {dimension_numbers = #tpu.dot_dimension_numbers<[1], [0], [0], [1], [0, 0, 1, 1], [], []>, precision = #tpu.contract_precision<fp32>, transpose_lhs_hint = false} : vector<512x512xf32>, vector<512x8xf32>, vector<512x8xf32> -> vector<512x8xf32>
    %mul3A = arith.mulf %dot_general3A_80, %convert_element_type3A_68 : vector<512x8xf32>
    %reduce_sum3A_81 = arith.constant dense<0.000000e+00> : vector<512xf32>
    %reduce_sum3A_82 = vector.multi_reduction <add>, %mul3A, %reduce_sum3A_81 [1] : vector<512x8xf32> to vector<512xf32>
    %broadcast_in_dim3A_83 = vector.shape_cast %reduce_sum3A_82 : vector<512xf32> to vector<512x1xf32>
    %mul3A_84 = arith.mulf %dot_general3A_80, %convert_element_type3A_73 : vector<512x8xf32>
    %reduce_sum3A_85 = arith.constant dense<0.000000e+00> : vector<512xf32>
    %reduce_sum3A_86 = vector.multi_reduction <add>, %mul3A_84, %reduce_sum3A_85 [1] : vector<512x8xf32> to vector<512xf32>
    %broadcast_in_dim3A_87 = vector.shape_cast %reduce_sum3A_86 : vector<512xf32> to vector<512x1xf32>
    %concatenate3A_88 = tpu.concatenate %broadcast_in_dim3A_83, %broadcast_in_dim3A_87 in 1 : vector<512x1xf32>, vector<512x1xf32> -> vector<512x2xf32>
    %convert_element_type3A_89 = arith.fptosi %concatenate3A_88 : vector<512x2xf32> to vector<512x2xi32>
    %transpose3A = tpu.transpose %convert_element_type3A_89, [1, 0] : vector<512x2xi32> -> vector<2x512xi32>
    %swap3A_90 = arith.constant 0 : index
    %swap3A_91 = arith.constant 0 : index
    %swap3A_92 = vector.load %arg8[%swap3A_90, %swap3A_91] : memref<2x512xi32, #tpu.memory_space<vmem>>, vector<2x512xi32>
    tpu.vector_store %arg8[%swap3A_90, %swap3A_91], %transpose3A {strides = array<i32>} : memref<2x512xi32, #tpu.memory_space<vmem>>, vector<2x512xi32>,
    %stack3A_93 = vector.shape_cast %argmax3A : vector<512xi32> to vector<1x512xi32>
    %stack3A_94 = vector.shape_cast %argmax3A_36 : vector<512xi32> to vector<1x512xi32>
    %stack3A_95 = tpu.concatenate %stack3A_93, %stack3A_94 in 0 : vector<1x512xi32>, vector<1x512xi32> -> vector<2x512xi32>
    %swap3A_96 = arith.constant 0 : index
    %swap3A_97 = arith.constant 0 : index
    %swap3A_98 = vector.load %arg9[%swap3A_96, %swap3A_97] : memref<2x512xi32, #tpu.memory_space<vmem>>, vector<2x512xi32>
    tpu.vector_store %arg9[%swap3A_96, %swap3A_97], %stack3A_95 {strides = array<i32>} : memref<2x512xi32, #tpu.memory_space<vmem>>, vector<2x512xi32>,
    %add3A_99 = arith.addf %convert_element_type3A_68, %convert_element_type3A_73 : vector<512x8xf32>
    %reduce_sum3A_100 = arith.constant dense<0.000000e+00> : vector<8xf32>
    %reduce_sum3A_101 = vector.multi_reduction <add>, %add3A_99, %reduce_sum3A_100 [0] : vector<512x8xf32> to vector<8xf32>
    %convert_element_type3A_102 = arith.fptosi %reduce_sum3A_101 : vector<8xf32> to vector<8xi32>
    %reshape3A = vector.shape_cast %convert_element_type3A_102 : vector<8xi32> to vector<1x1x8xi32>
    %swap3A_103 = arith.constant 0 : index
    %swap3A_104 = arith.constant 0 : index
    %swap3A_105 = arith.constant 0 : index
    %swap3A_106 = vector.load %arg10[%swap3A_103, %swap3A_104, %swap3A_105] : memref<1x1x8xi32, #tpu.memory_space<vmem>>, vector<1x1x8xi32>
    tpu.vector_store %arg10[%swap3A_103, %swap3A_104, %swap3A_105], %reshape3A {strides = array<i32>} : memref<1x1x8xi32, #tpu.memory_space<vmem>>, vector<1x1x8xi32>,
    return
  }
  func.func @transform_0(%arg0: i32) -> (i32, i32) {
    %c0_i32 = arith.constant 0 : i32
    %c0_i32_0 = arith.constant 0 : i32
    return %arg0, %c0_i32 : i32, i32
  }
  func.func @transform_1(%arg0: i32) -> (i32, i32) {
    %c0_i32 = arith.constant 0 : i32
    %c0_i32_0 = arith.constant 0 : i32
    %c0_i32_1 = arith.constant 0 : i32
    return %c0_i32, %c0_i32_0 : i32, i32
  }
  func.func @transform_2(%arg0: i32) -> (i32, i32) {
    %c0_i32 = arith.constant 0 : i32
    %c0_i32_0 = arith.constant 0 : i32
    %c0_i32_1 = arith.constant 0 : i32
    return %c0_i32, %c0_i32_0 : i32, i32
  }
  func.func @transform_3(%arg0: i32) -> (i32, i32, i32) {
    %c0_i32 = arith.constant 0 : i32
    %c0_i32_0 = arith.constant 0 : i32
    %c0_i32_1 = arith.constant 0 : i32
    return %arg0, %c0_i32, %c0_i32_0 : i32, i32, i32
  }
  func.func @transform_4(%arg0: i32) -> (i32, i32) {
    %c0_i32 = arith.constant 0 : i32
    %c0_i32_0 = arith.constant 0 : i32
    return %arg0, %c0_i32 : i32, i32
  }
  func.func @transform_5(%arg0: i32) -> (i32, i32) {
    %c0_i32 = arith.constant 0 : i32
    %c0_i32_0 = arith.constant 0 : i32
    return %arg0, %c0_i32 : i32, i32
  }
  func.func @transform_6(%arg0: i32) -> (i32, i32) {
    %c0_i32 = arith.constant 0 : i32
    %c0_i32_0 = arith.constant 0 : i32
    return %arg0, %c0_i32 : i32, i32
  }
  func.func @transform_7(%arg0: i32) -> (i32, i32) {
    %c0_i32 = arith.constant 0 : i32
    %c0_i32_0 = arith.constant 0 : i32
    return %c0_i32, %arg0 : i32, i32
  }
  func.func @transform_8(%arg0: i32) -> (i32, i32) {
    %c0_i32 = arith.constant 0 : i32
    %c0_i32_0 = arith.constant 0 : i32
    return %c0_i32, %arg0 : i32, i32
  }
  func.func @transform_9(%arg0: i32) -> (i32, i32, i32) {
    %c0_i32 = arith.constant 0 : i32
    %c0_i32_0 = arith.constant 0 : i32
    %c0_i32_1 = arith.constant 0 : i32
    return %arg0, %c0_i32, %c0_i32_0 : i32, i32, i32
  }
  func.func @transform_10(%arg0: i32) -> (i32, i32) {
    %c0_i32 = arith.constant 0 : i32
    %c0_i32_0 = arith.constant 0 : i32
    return %arg0, %c0_i32 : i32, i32
  }
  func.func @transform_11(%arg0: i32) -> (i32, i32, i32) {
    %c0_i32 = arith.constant 0 : i32
    %c0_i32_0 = arith.constant 0 : i32
    %c0_i32_1 = arith.constant 0 : i32
    return %arg0, %c0_i32, %c0_i32_0 : i32, i32, i32
  }
}

module attributes {stable_mosaic.version = 14 : i64} {
  func.func @_unpack_add_body(%arg0: i32, %arg1: memref<512x512xf32, #tpu.memory_space<vmem>>, %arg2: memref<512x512xf32, #tpu.memory_space<vmem>>, %arg3: memref<512x2xf32, #tpu.memory_space<vmem>>, %arg4: memref<512x1024xf32, #tpu.memory_space<vmem>>) attributes {dimension_semantics = [#tpu.dimension_semantics<arbitrary>], iteration_bounds = array<i64: 8>, scalar_prefetch = 0 : i64, scratch_operands = 0 : i64, tpu.core_type = #tpu.core_type<tc>, window_params = [{transform_indices = @transform_0, window_bounds = array<i64: 512, 512>}, {transform_indices = @transform_1, window_bounds = array<i64: 512, 512>}, {transform_indices = @transform_2, window_bounds = array<i64: 512, 2>}, {transform_indices = @transform_3, window_bounds = array<i64: 512, 1024>}]} {
    %get3A = arith.constant 0 : index
    %get3A_0 = arith.constant 0 : index
    %get3A_1 = vector.load %arg1[%get3A, %get3A_0] : memref<512x512xf32, #tpu.memory_space<vmem>>, vector<512x512xf32>
    %bitcast_convert_type3A = tpu.bitcast %get3A_1 : vector<512x512xf32> -> vector<512x512xi32>
    %get3A_2 = arith.constant 0 : index
    %get3A_3 = arith.constant 0 : index
    %get3A_4 = vector.load %arg2[%get3A_2, %get3A_3] : memref<512x512xf32, #tpu.memory_space<vmem>>, vector<512x512xf32>
    %bitcast_convert_type3A_5 = tpu.bitcast %get3A_4 : vector<512x512xf32> -> vector<512x512xi32>
    %get3A_6 = arith.constant 0 : index
    %get3A_7 = arith.constant 0 : index
    %get3A_8 = vector.load %arg3[%get3A_6, %get3A_7] : memref<512x2xf32, #tpu.memory_space<vmem>>, vector<512x1xf32>
    %get3A_9 = arith.constant 0 : index
    %get3A_10 = arith.constant 1 : index
    %get3A_11 = vector.load %arg3[%get3A_9, %get3A_10] : memref<512x2xf32, #tpu.memory_space<vmem>>, vector<512x1xf32>
    %shift_left3A = arith.constant 16 : i32
    %shift_left3A_12 = vector.broadcast %shift_left3A : i32 to vector<512x512xi32>
    %shift_left3A_13 = arith.shli %bitcast_convert_type3A, %shift_left3A_12 : vector<512x512xi32>
    %bitcast_convert_type3A_14 = tpu.bitcast %shift_left3A_13 : vector<512x512xi32> -> vector<512x512xf32>
    %mul3A = vector.broadcast %get3A_8 : vector<512x1xf32> to vector<512x512xf32>
    %mul3A_15 = arith.mulf %mul3A, %bitcast_convert_type3A_14 : vector<512x512xf32>
    %shift_left3A_16 = arith.constant 16 : i32
    %shift_left3A_17 = vector.broadcast %shift_left3A_16 : i32 to vector<512x512xi32>
    %shift_left3A_18 = arith.shli %bitcast_convert_type3A_5, %shift_left3A_17 : vector<512x512xi32>
    %bitcast_convert_type3A_19 = tpu.bitcast %shift_left3A_18 : vector<512x512xi32> -> vector<512x512xf32>
    %mul3A_20 = vector.broadcast %get3A_11 : vector<512x1xf32> to vector<512x512xf32>
    %mul3A_21 = arith.mulf %mul3A_20, %bitcast_convert_type3A_19 : vector<512x512xf32>
    %add3A = arith.addf %mul3A_15, %mul3A_21 : vector<512x512xf32>
    %and3A = arith.constant -65536 : i32
    %and3A_22 = vector.broadcast %and3A : i32 to vector<512x512xi32>
    %and3A_23 = arith.andi %bitcast_convert_type3A, %and3A_22 : vector<512x512xi32>
    %bitcast_convert_type3A_24 = tpu.bitcast %and3A_23 : vector<512x512xi32> -> vector<512x512xf32>
    %mul3A_25 = vector.broadcast %get3A_8 : vector<512x1xf32> to vector<512x512xf32>
    %mul3A_26 = arith.mulf %mul3A_25, %bitcast_convert_type3A_24 : vector<512x512xf32>
    %and3A_27 = arith.constant -65536 : i32
    %and3A_28 = vector.broadcast %and3A_27 : i32 to vector<512x512xi32>
    %and3A_29 = arith.andi %bitcast_convert_type3A_5, %and3A_28 : vector<512x512xi32>
    %bitcast_convert_type3A_30 = tpu.bitcast %and3A_29 : vector<512x512xi32> -> vector<512x512xf32>
    %mul3A_31 = vector.broadcast %get3A_11 : vector<512x1xf32> to vector<512x512xf32>
    %mul3A_32 = arith.mulf %mul3A_31, %bitcast_convert_type3A_30 : vector<512x512xf32>
    %add3A_33 = arith.addf %mul3A_26, %mul3A_32 : vector<512x512xf32>
    %concatenate3A = tpu.concatenate %add3A, %add3A_33 in 1 : vector<512x512xf32>, vector<512x512xf32> -> vector<512x1024xf32>
    %swap3A = arith.constant 0 : index
    %swap3A_34 = arith.constant 0 : index
    %swap3A_35 = vector.load %arg4[%swap3A, %swap3A_34] : memref<512x1024xf32, #tpu.memory_space<vmem>>, vector<512x1024xf32>
    tpu.vector_store %arg4[%swap3A, %swap3A_34], %concatenate3A {strides = array<i32>} : memref<512x1024xf32, #tpu.memory_space<vmem>>, vector<512x1024xf32>,
    return
  }
  func.func @transform_0(%arg0: i32) -> (i32, i32) {
    %c0_i32 = arith.constant 0 : i32
    %c0_i32_0 = arith.constant 0 : i32
    return %arg0, %c0_i32 : i32, i32
  }
  func.func @transform_1(%arg0: i32) -> (i32, i32) {
    %c0_i32 = arith.constant 0 : i32
    %c0_i32_0 = arith.constant 0 : i32
    return %arg0, %c0_i32 : i32, i32
  }
  func.func @transform_2(%arg0: i32) -> (i32, i32) {
    %c0_i32 = arith.constant 0 : i32
    %c0_i32_0 = arith.constant 0 : i32
    return %arg0, %c0_i32 : i32, i32
  }
  func.func @transform_3(%arg0: i32) -> (i32, i32) {
    %c0_i32 = arith.constant 0 : i32
    %c0_i32_0 = arith.constant 0 : i32
    return %arg0, %c0_i32 : i32, i32
  }
}

</mosaic_0001>

<sc_bundles>
// kernel: kernel.12.cloned.1.call-start
scs
__scs_entry_jumppad:
0x0: {  	(pc) =	sbr.rel $0x88, $3  }
0x1: {  	(tag) =	ssettag $0x0;
	lr =	simm.s32 $0x1  }
0x2: {  	[smem:$0x3F9A] =	sst lr;
	_ =	strace $0xD0000000  }
0x3: {  	_ = 	snop  }
0x4: {  	_ = 	snop  }
0x5: {  	_ = 	snop  }
0x6: {  	_ = 	snop  }
0x7: {  	_ = 	snop  }
__scs_overlays_trampoline_lowered:
0x8: {  	[smem:$0x3FA9] =	sst s0  }
0x9: {  	[smem:$0x3FAA] =	sst s1  }
0xa: {  	[smem:$0x3FAB] =	sst s2  }
0xb: {  	[smem:$0x3FAC] =	sst s3  }
0xc: {  	[smem:$0x3FAD] =	sst s4  }
0xd: {  	[smem:$0x3FAE] =	sst s5  }
0xe: {  	[smem:$0x3FAF] =	sst s6  }
0xf: {  	[smem:$0x3FB0] =	sst s7  }
0x10: {  	[smem:$0x3FB1] =	sst s8  }
0x11: {  	[smem:$0x3FB2] =	sst s9;
	s0 =	simm.s32 @!p0 $0x0  }
0x12: {  	s1 =	sld [smem:$0x3F98];
	s0 =	simm.s32 @p0 $0x1  }
0x13: {  	[smem:$0x3FB3] =	sst s0;
	s0 =	simm.s32 @!p1 $0x0  }
0x14: {  	s2 =	sld [smem:$0x3F97];
	s0 =	simm.s32 @p1 $0x1  }
0x15: {  	[smem:$0x3FB4] =	sst s0;
	s0 =	simm.s32 @!p2 $0x0  }
0x16: {  	s3 =	sld [smem:$0x3FDB];
	s0 =	simm.s32 @p2 $0x1  }
0x17: {  	s4 =	simm.s32 $0x1BF5;
	[smem:$0x3FB6] =	sst s0  }
0x18: {  	s0 =	sld [smem:$0x3F99];
	_ =	swait.ge [sflag:s4], $0x0  }
0x19: {  	s7 =	sld [smem:$0x3F9A]  }
0x1a: {  	s8 =	sadd.s32 $0xFFFFE003, lr  }
0x1b: {  	s9 =	sadd.s32 $0xFFFFFEF7, lr;
	s5 =	simm.s32 $0xFFFFFFFF;
	p2 =	slt.u32 s8, $0xFFFFF086  }
0x1c: {  	p1 =	slt.u32 s9, $0xF7A;
	s5 =	simm.s32 @!p2 $0x0  }
0x1d: {  	s5 =	simm.s32 @p1 $0x1;
	p0 =	seq.s32 s7, s2  }
0x1e: {  	s7 =	smul.u32 @!p0 $0xF7A, s2;
	p2 =	seq.s32 @!p0 s5, $0x0  }
0x1f: {  	s9 =	smul.u32 $0xF7A, s1;
	s8 =	simm.s32 @!p0 $0x1BF5;
	p2 =	por !p2, p0  }
0x20: {  	[sflag:s8] =	ssyncset.s32 @!p0 $0xFFFFF086;
	s6 =	sadd.s32 @!p0 s3, s7;
	s7 =	simm.s32 @!p0 $0x108  }
0x21: {  	s3 =	sadd.s32 s3, s9;
	s6 =	sadd.s32 @!p0 $0x88, s6;
	s7 =	simm.s32 @p2 $0x1082  }
0x22: {  	[simem:s7], [sflag:s8] =	dma.local @!p0 [hbm:s6], $0xF7A  }
0x23: {  	s9 =	sor.u32 $0xD0000000, s2;
	s6 =	simm.s32 $0x108;
	_ =	swait.ge @!p0 [sflag:s8], $0x0  }
0x24: {  	s3 =	sadd.s32 $0x88, s3;
	s6 =	simm.s32 @!p1 $0x1082;
	[sflag:s4] =	ssyncset.s32 $0xFFFFF086  }
0x25: {  	[simem:s6], [sflag:s4] =	dma.local [hbm:s3], $0xF7A  }
0x26: {  	[smem:$0x3F9A] =	sst s1;
	(tag) =	ssettag s2;
	_ =	strace s9  }
0x27: {  	s1 =	sld [smem:$0x3FAA]  }
0x28: {  	s2 =	sld [smem:$0x3FAB]  }
0x29: {  	s4 =	sld [smem:$0x3FAD]  }
0x2a: {  	p0 =	seq.s32 s5, $0x0;
	s5 =	sld [smem:$0x3FAE]  }
0x2b: {  	s6 =	sld [smem:$0x3FAF]  }
0x2c: {  	s7 =	sld [smem:$0x3FB0]  }
0x2d: {  	s3 =	simm.s32 $0x108;
	s8 =	sld [smem:$0x3FB1]  }
0x2e: {  	s3 =	simm.s32 @!p0 $0x1082;
	s9 =	sld [smem:$0x3FB2]  }
0x2f: {  	lr =	sadd.s32 s0, s3;
	s0 =	sld [smem:$0x3FA9]  }
0x30: {  	s3 =	sld [smem:$0x3FAC]  }
0x31: {  	[smem:$0x3FB5] =	sst s10  }
0x32: {  	s10 =	sld [smem:$0x3FB3];
	_ =	sdelay $0x3  }
0x33: {  	p0 =	seq.s32 s10, $0x1;
	s10 =	sld [smem:$0x3FB5];
	_ =	sdelay $0x3  }
0x34: {  	[smem:$0x3FB5] =	sst s10  }
0x35: {  	s10 =	sld [smem:$0x3FB4];
	_ =	sdelay $0x3  }
0x36: {  	p1 =	seq.s32 s10, $0x1;
	s10 =	sld [smem:$0x3FB5];
	_ =	sdelay $0x3  }
0x37: {  	[smem:$0x3FB5] =	sst s10  }
0x38: {  	s10 =	sld [smem:$0x3FB6]  }
0x39: {  	_ = 	snop;
	(pc) =	sbr.ind lr, $3  }
0x3a: {  	_ = 	snop  }
0x3b: {  	_ = 	snop  }
0x3c: {  	p2 =	seq.s32 s10, $0x1;
	s10 =	sld [smem:$0x3FB5]  }
0x3d: {  	_ =	shalt  }
0x3e: {  	_ =	shalt  }
0x3f: {  	_ =	shalt  }
0x40: {  	_ =	shalt  }
0x41: {  	_ =	shalt  }
0x42: {  	_ =	shalt  }
0x43: {  	_ =	shalt  }
0x44: {  	_ =	shalt  }
0x45: {  	_ =	shalt  }
0x46: {  	_ =	shalt  }
0x47: {  	_ =	shalt  }
0x48: {  	_ =	shalt  }
0x49: {  	_ =	shalt  }
0x4a: {  	_ =	shalt  }
0x4b: {  	_ =	shalt  }
0x4c: {  	_ =	shalt  }
0x4d: {  	_ =	shalt  }
0x4e: {  	_ =	shalt  }
0x4f: {  	_ =	shalt  }
0x50: {  	_ =	shalt  }
0x51: {  	_ =	shalt  }
0x52: {  	_ =	shalt  }
0x53: {  	_ =	shalt  }
0x54: {  	_ =	shalt  }
0x55: {  	_ =	shalt  }
0x56: {  	_ =	shalt  }
0x57: {  	_ =	shalt  }
0x58: {  	_ =	shalt  }
0x59: {  	_ =	shalt  }
0x5a: {  	_ =	shalt  }
0x5b: {  	_ =	shalt  }
0x5c: {  	_ =	shalt  }
0x5d: {  	_ =	shalt  }
0x5e: {  	_ =	shalt  }
0x5f: {  	_ =	shalt  }
0x60: {  	_ =	shalt  }
0x61: {  	_ =	shalt  }
0x62: {  	_ =	shalt  }
0x63: {  	_ =	shalt  }
0x64: {  	_ =	shalt  }
0x65: {  	_ =	shalt  }
0x66: {  	_ =	shalt  }
0x67: {  	_ =	shalt  }
0x68: {  	_ =	shalt  }
0x69: {  	_ =	shalt  }
0x6a: {  	_ =	shalt  }
0x6b: {  	_ =	shalt  }
0x6c: {  	_ =	shalt  }
0x6d: {  	_ =	shalt  }
0x6e: {  	_ =	shalt  }
0x6f: {  	_ =	shalt  }
0x70: {  	_ =	shalt  }
0x71: {  	_ =	shalt  }
0x72: {  	_ =	shalt  }
0x73: {  	_ =	shalt  }
0x74: {  	_ =	shalt  }
0x75: {  	_ =	shalt  }
0x76: {  	_ =	shalt  }
0x77: {  	_ =	shalt  }
0x78: {  	_ =	shalt  }
0x79: {  	_ =	shalt  }
0x7a: {  	_ =	shalt  }
0x7b: {  	_ =	shalt  }
0x7c: {  	_ =	shalt  }
0x7d: {  	_ =	shalt  }
0x7e: {  	_ =	shalt  }
0x7f: {  	_ =	shalt  }
0x80: {  	_ =	shalt  }
0x81: {  	_ =	shalt  }
0x82: {  	_ =	shalt  }
0x83: {  	_ =	shalt  }
0x84: {  	_ =	shalt  }
0x85: {  	_ =	shalt  }
0x86: {  	_ =	shalt  }
0x87: {  	_ =	shalt  }
.Lfunc_end0:
.L_simem_size_0:
called_computation.1_lowered:
.L_overlay_start_0:
0x88: {  	s2 =	sld [smem:$0x3FD9]  }
0x89: {  	s3 =	sld [smem:$0x3FFE];
	_ =	sdelay $0x1  }
0x8a: {  	s1 =	srdreg.scid  }
0x8b: {  	s0 =	sand.u32 $0x1, s1  }
0x8c: {  	s14 =	sshll.u32 s0, $0xA;
	s2 =	sadd.s32 s3, s2  }
0x8d: {  	s2 =	sadd.s32 s2, s14  }
0x8e: {  	[smem:$0x3FC1] =	sst s2  }
0x8f: {  	_ = 	snop  }
0x90: {  	s2 =	sld [smem:$0x3FD0];
	_ =	sdelay $0x2  }
0x91: {  	s15 =	simm.s32 $0xA;
	s4 =	simm.s32 $0x10  }
0x92: {  	[smem:s4], [sflag:s15] =	dma.local [hbm:s2], $0x1  }
0x93: {  	_ =	swait.eq [sflag:s15], $0x1  }
0x94: {  	[sflag:s15] =	ssyncset.done $0x0  }
0x95: {  	[sflag:s15] =	ssyncadd.s32 $0xFFFFFFFF  }
0x96: {  	s16 =	sld [smem:$0x10];
	(tm) =	ssettm $0x1  }
0x97: {  	s17 =	sld [smem:$0x3FFB];
	_ =	sdelay $0x3  }
0x98: {  	_ =	strace s17  }
0x99: {  	s3 =	sld [smem:$0x3FFC];
	_ =	sdelay $0x3  }
0x9a: {  	_ =	strace s3  }
0x9b: {  	s3 =	sld [smem:$0x3FFD];
	_ =	sdelay $0x3  }
0x9c: {  	_ =	strace s3  }
0x9d: {  	_ =	strace $0x8FFFFFFF  }
0x9e: {  	s18 =	sld [smem:$0x3FDB];
	_ =	sdelay $0x1  }
0x9f: {  	s19 =	simm.s32 $_scs_section_size  }
0xa0: {  	s5 =	simm.s32 $_size__tile_overlayer_lowered;
	s6 =	simm.s32 $_tile_overlayer_lowered  }
0xa1: {  	s22 =	simm.s32 $0x1BFF;
	s21 =	sshll.u32 s6, $0x1;
	s3 =	sadd.s32 s19, s18  }
0xa2: {  	s7 =	simm.s32 $0x0;
	s20 =	sshll.u32 s5, $0x1;
	s5 =	sadd.s32 s21, s3  }
0xa3: {  	[timem:s7], [sflag:s22] =	dma.local [hbm:s5], s20  }
0xa4: {  	_ =	swait.ge [sflag:s22], s20  }
0xa5: {  	s4 =	ssub.s32 $0x0, s20;
	[sflag:s22] =	ssyncset.done $0x0  }
0xa6: {  	[sflag:s22] =	ssyncadd.s32 s4;
	_ =	sdelay $0x1  }
0xa7: {  	s23 =	simm.s32 $0x1B8B  }
0xa8: {  	_ =	swait.ge [sflag:s23], $0x1  }
0xa9: {  	[sflag:s23] =	ssyncset.done $0x0  }
0xaa: {  	s25 =	simm.s32 $0x1B8E;
	s24 =	sld [smem:$0x3FFE];
	[sflag:s23] =	ssyncadd.s32 $0xFFFFFFFF  }
0xab: {  	s26 =	simm.s32 $execute0_lowered;
	[smem:$0x3FD2] =	sst s25  }
0xac: {  	s5 =	sshll.u32 s26, $0x1;
	_ =	strace $0x80000049;
	[dreg:$0x1] =	wrdreg $0xFFFFFFFF  }
0xad: {  	s28 =	simm.s32 $_size_execute0_lowered;
	s3 =	sadd.s32 s3, s5;
	[dreg:$0x0] =	wrdreg $0x0  }
0xae: {  	s5 =	sshll.u32 s28, $0x1;
	[dreg:$0x2] =	wrdreg s3  }
0xaf: {  	[dreg:$0x3] =	wrdreg s5  }
0xb0: {  	[dreg:$0x4] =	wrdreg $0xC0  }
0xb1: {  	_ =	task [dreg:s7], $0x5FFFF  }
0xb2: {  	[dreg:$0x1] =	wrdreg $0xFFFFFFFF  }
0xb3: {  	[dreg:$0x0] =	wrdreg $0x60  }
0xb4: {  	[dreg:$0x2] =	wrdreg s24  }
0xb5: {  	[dreg:$0x3] =	wrdreg s16  }
0xb6: {  	[dreg:$0x4] =	wrdreg $0x9  }
0xb7: {  	_ =	task.clear_ibuf [dreg:s7], $0x5FFFF;
	_ =	strace $0x90000049  }
0xb8: {  	s29 =	simm.s32 $0x9;
	_ =	strace $0x8000004B  }
0xb9: {  	_ =	swait.ge [sflag:s29], $0x1  }
0xba: {  	[sflag:s29] =	ssyncadd.s32 $0xFFFFFFFF  }
0xbb: {  	_ =	strace $0x9000004B  }
0xbc: {  	_ =	sfence  }
0xbd: {  	s30 =	sld [smem:$0x0];
	_ =	sdelay $0x2  }
0xbe: {  	s31 =	sshll.u32 s1, $0xD;
	s1 =	sshrl.u32 s1, $0x2  }
0xbf: {  	s3 =	sand.u32 $0x4000, s31;
	s1 =	sadd.s32 s1, s30  }
0xc0: {  	s0 =	sor.u32 s3, s0;
	s1 =	sshll.u32 s1, $0x11  }
0xc1: {  	s0 =	sor.u32 s1, s0  }
0xc2: {  	s0 =	sadd.s32 $0x8F2B, s0  }
0xc3: {  	[sflag:s0] =	ssyncadd.remote.s32 $0x1  }
0xc4: {  	_ =	sfence.sel $0xFFFF  }
0xc5: {  	[dreg:$0x0] =	wrdreg $0xFFFFFFFF;
	(pc) =	sbr.abs _section_cstart, $3  }
0xc6: {  	[dreg:$0x1] =	wrdreg $0xFFFFFFFF  }
0xc7: {  	_ =	task.clear_ibuf [dreg:s7], $0x2FFFF;
	_ =	strace $0x9FFFFFFF  }
0xc8: {  	(tm) =	ssettm $0x7FFFFFFF  }
0xc9: {  	_ =	shalt  }
tec
execute0_lowered:
.L_overlay_start_1:
0x0: {  	(tag) =	ssettag $0x1  }
0x1: {  	s0 =	rddreg [dreg:$0x0]  }
0x2: {  	s1 =	rddreg [dreg:$0x1];
	s3 =	srdreg.scid;
	s2 =	simm.s32 $0x0  }
0x3: {  	s5 =	stileid.u32;
	s16 =	simm.s32 $0x10000;
	s17 =	simm.s32 $0x10080  }
0x4: {  	s18 =	simm.s32 $0x800;
	s28 =	simm.s32 $0x4800;
	s29 =	simm.s32 $0x5000  }
0x5: {  	s30 =	simm.s32 $0x5800;
	s31 =	simm.s32 $0x6000;
	s12 =	simm.s32 $0xA800  }
0x6: {  	s13 =	simm.s32 $0xB000;
	s4 =	sand.u32 $0x1, s3;
	[smem:$0x7FF] =	sst s2  }
0x7: {  	s5 =	sshll.u32 s5, $0x8;
	s3 =	sadd.s32 $0x162200, s0;
	s19 =	sadd.s32 $0x42000, s0  }
0x8: {  	s7 =	sadd.s32 $0x41E00, s0;
	s9 =	sadd.s32 $0x1E00, s0;
	s6 =	sshll.u32 s4, $0x7  }
0x9: {  	_ =	strace $0x8000004A;
	s4 =	ssub.s32 $0x2, s4;
	s5 =	sor.u32 s6, s5  }
0xa: {  	s11 =	sshrl.u32 s4, $0x1;
	s8 =	sshrl.u32 s5, $0x3;
	s20 =	sshll.u32 s5, $0x6  }
0xb: {  	s5 =	sor.u32 $0x40, s5;
	s25 =	ssub.s32 s4, s11;
	s10 =	sadd.s32 s19, s8  }
0xc: {  	s4 =	sadd.s32 $0x162300, s0;
	s8 =	sadd.s32 s7, s8;
	[dreg:$0x3] =	wrdreg s10  }
0xd: {  	s11 =	simm.s32 $0xA000;
	s21 =	sadd.s32 s1, s20;
	[dreg:$0x4] =	wrdreg s8  }
0xe: {  	s22 =	sadd.s32 s9, s20;
	s23 =	sshrl.u32 s5, $0x3;
	[dreg:$0x5] =	wrdreg s21  }
0xf: {  	s5 =	sshll.u32 s5, $0x6;
	s20 =	simm.s32 $0x1800;
	[dreg:$0x6] =	wrdreg s22  }
0x10: {  	s6 =	sadd.s32 s19, s23;
	s24 =	sadd.s32 s7, s23;
	s1 =	sadd.s32 s1, s5  }
0x11: {  	s26 =	sadd.s32 s9, s5;
	s5 =	smax.u32 s25, $0x1;
	s8 =	simm.s32 $0x1  }
0x12: {  	s19 =	simm.s32 $0x1000;
	s21 =	simm.s32 $0x2000;
	[dreg:$0x7] =	wrdreg s6  }
0x13: {  	s22 =	simm.s32 $0x2800;
	s23 =	simm.s32 $0x3000;
	[dreg:$0x8] =	wrdreg s24  }
0x14: {  	v2 =	vlaneseq.u32;
	s25 =	simm.s32 $0x3800;
	s7 =	simm.s32 $0x8800;
	[dreg:$0x9] =	wrdreg s1  }
0x15: {  	vm0 =	vmmov $0xffff;
	v1 =	vshrl.u32 v2, $0x3;
	s9 =	simm.s32 $0x9000;
	s10 =	simm.s32 $0x9800;
	[dreg:$0xa] =	wrdreg s26  }
0x16: {  	v0 =	vand.u32 $0x7, v2;
	v2 =	vor.u32 $0x8, v2;
	v1 =	vmul.u32 $0x8, v1;
	s26 =	simm.s32 $0x4000;
	s6 =	simm.s32 $0x7800;
	s24 =	simm.s32 $0xB800  }
.LBB2_1:
0x17: {  	s14 =	rddreg [dreg:$0x3]  }
0x18: {  	[tilespmem:s16], [sflag:$0x1] =	stream.linear.gather [hbm4b:s14+s2], $0x40, $0x38;
	[tilespmem:$0x10100] =	vst v63  }
0x19: {  	s15 =	rddreg [dreg:$0x4]  }
0x1a: {  	[tilespmem:s17], [sflag:$0x1] =	stream.linear.gather [hbm4b:s15+s2], $0x40, $0x38;
	[tilespmem:$0x10100] =	vst v63  }
0x1b: {  	_ =	swait.ge [sflag:s8], $0x40  }
0x1c: {  	[sflag:s8] =	ssyncset.done $0x0  }
0x1d: {  	[sflag:s8] =	ssyncadd.s32 $0xFFFFFFC0  }
0x1e: {  	_ =	swait.ge [sflag:s8], $0x40  }
0x1f: {  	[sflag:s8] =	ssyncset.done $0x0  }
0x20: {  	[sflag:s8] =	ssyncadd.s32 $0xFFFFFFC0  }
0x21: {  	v3 =	vld [tilespmem:$0x10000];
	_ =	sdelay $0x4  }
0x22: {  	v4 =	vshll.u32 v3, $0x2  }
0x23: {  	v3 =	vand.u32 $0x7, v3;
	v4 =	vand.u32 $0xFFFFFFE0, v4  }
0x24: {  	v3 =	vor.u32 v3, v4  }
0x25: {  	v4 =	vperm.xlane v3, v0;
	_ =	sdelay $0x1  }
0x26: {  	v4 =	vadd.s32 v1, v4;
	_ =	sdelay $0x1  }
0x27: {  	v3 =	vperm.xlane v3, v2;
	_ =	sdelay $0x1  }
0x28: {  	v3 =	vadd.s32 v1, v3  }
0x29: {  	[tilespmem:s2], [sflag:$0x1] =	stream.indirect_vreg.gather [hbm4b:s3+s2], $0x80, v4, vm0, $0xb8;
	[tilespmem:$0x10100] =	vst v63  }
0x2a: {  	_ = 	snop  }
0x2b: {  	[tilespmem:s18], [sflag:$0x1] =	stream.indirect_vreg.gather [hbm4b:s4+s2], $0x80, v4, vm0, $0xb8;
	[tilespmem:$0x10100] =	vst v63  }
0x2c: {  	_ = 	snop  }
0x2d: {  	[tilespmem:s19], [sflag:$0x1] =	stream.indirect_vreg.gather [hbm4b:s3+s2], $0x80, v3, vm0, $0xb8;
	[tilespmem:$0x10100] =	vst v63  }
0x2e: {  	_ = 	snop  }
0x2f: {  	[tilespmem:s20], [sflag:$0x1] =	stream.indirect_vreg.gather [hbm4b:s4+s2], $0x80, v3, vm0, $0xb8;
	[tilespmem:$0x10100] =	vst v63  }
0x30: {  	v3 =	vld [tilespmem:$0x10010];
	_ =	sdelay $0x4  }
0x31: {  	v49 =	vshll.u32 v3, $0x2  }
0x32: {  	v3 =	vand.u32 $0x7, v3;
	v4 =	vand.u32 $0xFFFFFFE0, v49  }
0x33: {  	v3 =	vor.u32 v3, v4  }
0x34: {  	v4 =	vperm.xlane v3, v0;
	_ =	sdelay $0x1  }
0x35: {  	v4 =	vadd.s32 v1, v4;
	_ =	sdelay $0x1  }
0x36: {  	v3 =	vperm.xlane v3, v2;
	_ =	sdelay $0x1  }
0x37: {  	v3 =	vadd.s32 v1, v3  }
0x38: {  	[tilespmem:s21], [sflag:$0x1] =	stream.indirect_vreg.gather [hbm4b:s3+s2], $0x80, v4, vm0, $0xb8;
	[tilespmem:$0x10100] =	vst v63  }
0x39: {  	_ = 	snop  }
0x3a: {  	[tilespmem:s22], [sflag:$0x1] =	stream.indirect_vreg.gather [hbm4b:s4+s2], $0x80, v4, vm0, $0xb8;
	[tilespmem:$0x10100] =	vst v63  }
0x3b: {  	_ = 	snop  }
0x3c: {  	[tilespmem:s23], [sflag:$0x1] =	stream.indirect_vreg.gather [hbm4b:s3+s2], $0x80, v3, vm0, $0xb8;
	[tilespmem:$0x10100] =	vst v63  }
0x3d: {  	_ = 	snop  }
0x3e: {  	[tilespmem:s25], [sflag:$0x1] =	stream.indirect_vreg.gather [hbm4b:s4+s2], $0x80, v3, vm0, $0xb8;
	[tilespmem:$0x10100] =	vst v63  }
0x3f: {  	v3 =	vld [tilespmem:$0x10020];
	_ =	sdelay $0x4  }
0x40: {  	v50 =	vshll.u32 v3, $0x2  }
0x41: {  	v3 =	vand.u32 $0x7, v3;
	v4 =	vand.u32 $0xFFFFFFE0, v50  }
0x42: {  	v3 =	vor.u32 v3, v4  }
0x43: {  	v4 =	vperm.xlane v3, v0;
	_ =	sdelay $0x1  }
0x44: {  	v4 =	vadd.s32 v1, v4;
	_ =	sdelay $0x1  }
0x45: {  	v3 =	vperm.xlane v3, v2;
	_ =	sdelay $0x1  }
0x46: {  	v3 =	vadd.s32 v1, v3  }
0x47: {  	[tilespmem:s26], [sflag:$0x1] =	stream.indirect_vreg.gather [hbm4b:s3+s2], $0x80, v4, vm0, $0xb8;
	[tilespmem:$0x10100] =	vst v63  }
0x48: {  	_ = 	snop  }
0x49: {  	[tilespmem:s28], [sflag:$0x1] =	stream.indirect_vreg.gather [hbm4b:s4+s2], $0x80, v4, vm0, $0xb8;
	[tilespmem:$0x10100] =	vst v63  }
0x4a: {  	_ = 	snop  }
0x4b: {  	[tilespmem:s29], [sflag:$0x1] =	stream.indirect_vreg.gather [hbm4b:s3+s2], $0x80, v3, vm0, $0xb8;
	[tilespmem:$0x10100] =	vst v63  }
0x4c: {  	_ = 	snop  }
0x4d: {  	[tilespmem:s30], [sflag:$0x1] =	stream.indirect_vreg.gather [hbm4b:s4+s2], $0x80, v3, vm0, $0xb8;
	[tilespmem:$0x10100] =	vst v63  }
0x4e: {  	v3 =	vld [tilespmem:$0x10030];
	_ =	sdelay $0x4  }
0x4f: {  	v51 =	vshll.u32 v3, $0x2  }
0x50: {  	v3 =	vand.u32 $0x7, v3;
	v4 =	vand.u32 $0xFFFFFFE0, v51  }
0x51: {  	v3 =	vor.u32 v3, v4  }
0x52: {  	v4 =	vperm.xlane v3, v0;
	_ =	sdelay $0x1  }
0x53: {  	v4 =	vadd.s32 v1, v4;
	_ =	sdelay $0x1  }
0x54: {  	v3 =	vperm.xlane v3, v2;
	_ =	sdelay $0x1  }
0x55: {  	v3 =	vadd.s32 v1, v3  }
0x56: {  	[tilespmem:s31], [sflag:$0x1] =	stream.indirect_vreg.gather [hbm4b:s3+s2], $0x80, v4, vm0, $0xb8;
	[tilespmem:$0x10100] =	vst v63  }
0x57: {  	s0 =	simm.s32 $0x6800  }
0x58: {  	[tilespmem:s0], [sflag:$0x1] =	stream.indirect_vreg.gather [hbm4b:s4+s2], $0x80, v4, vm0, $0xb8;
	[tilespmem:$0x10100] =	vst v63  }
0x59: {  	s1 =	simm.s32 $0x7000  }
0x5a: {  	[tilespmem:s1], [sflag:$0x1] =	stream.indirect_vreg.gather [hbm4b:s3+s2], $0x80, v3, vm0, $0xb8;
	[tilespmem:$0x10100] =	vst v63  }
0x5b: {  	_ = 	snop  }
0x5c: {  	[tilespmem:s6], [sflag:$0x1] =	stream.indirect_vreg.gather [hbm4b:s4+s2], $0x80, v3, vm0, $0xb8;
	[tilespmem:$0x10100] =	vst v63  }
0x5d: {  	v3 =	vld [tilespmem:$0x10080];
	_ =	sdelay $0x4  }
0x5e: {  	v52 =	vshll.u32 v3, $0x2  }
0x5f: {  	v3 =	vand.u32 $0x7, v3;
	v4 =	vand.u32 $0xFFFFFFE0, v52  }
0x60: {  	v3 =	vor.u32 v3, v4  }
0x61: {  	v4 =	vperm.xlane v3, v0;
	_ =	sdelay $0x1  }
0x62: {  	v4 =	vadd.s32 v1, v4;
	_ =	sdelay $0x1  }
0x63: {  	v3 =	vperm.xlane v3, v2;
	_ =	sdelay $0x1  }
0x64: {  	s0 =	simm.s32 $0x8000;
	v3 =	vadd.s32 v1, v3  }
0x65: {  	[tilespmem:s0], [sflag:$0x1] =	stream.indirect_vreg.gather [hbm4b:s3+s2], $0x80, v4, vm0, $0xb8;
	[tilespmem:$0x10100] =	vst v63  }
0x66: {  	_ = 	snop  }
0x67: {  	[tilespmem:s7], [sflag:$0x1] =	stream.indirect_vreg.gather [hbm4b:s4+s2], $0x80, v4, vm0, $0xb8;
	[tilespmem:$0x10100] =	vst v63  }
0x68: {  	_ = 	snop  }
0x69: {  	[tilespmem:s9], [sflag:$0x1] =	stream.indirect_vreg.gather [hbm4b:s3+s2], $0x80, v3, vm0, $0xb8;
	[tilespmem:$0x10100] =	vst v63  }
0x6a: {  	_ = 	snop  }
0x6b: {  	[tilespmem:s10], [sflag:$0x1] =	stream.indirect_vreg.gather [hbm4b:s4+s2], $0x80, v3, vm0, $0xb8;
	[tilespmem:$0x10100] =	vst v63  }
0x6c: {  	v3 =	vld [tilespmem:$0x10090];
	_ =	sdelay $0x4  }
0x6d: {  	v53 =	vshll.u32 v3, $0x2  }
0x6e: {  	v3 =	vand.u32 $0x7, v3;
	v4 =	vand.u32 $0xFFFFFFE0, v53  }
0x6f: {  	v3 =	vor.u32 v3, v4  }
0x70: {  	v4 =	vperm.xlane v3, v0;
	_ =	sdelay $0x1  }
0x71: {  	v4 =	vadd.s32 v1, v4;
	_ =	sdelay $0x1  }
0x72: {  	v3 =	vperm.xlane v3, v2;
	_ =	sdelay $0x1  }
0x73: {  	v3 =	vadd.s32 v1, v3  }
0x74: {  	[tilespmem:s11], [sflag:$0x1] =	stream.indirect_vreg.gather [hbm4b:s3+s2], $0x80, v4, vm0, $0xb8;
	[tilespmem:$0x10100] =	vst v63  }
0x75: {  	_ = 	snop  }
0x76: {  	[tilespmem:s12], [sflag:$0x1] =	stream.indirect_vreg.gather [hbm4b:s4+s2], $0x80, v4, vm0, $0xb8;
	[tilespmem:$0x10100] =	vst v63  }
0x77: {  	_ = 	snop  }
0x78: {  	[tilespmem:s13], [sflag:$0x1] =	stream.indirect_vreg.gather [hbm4b:s3+s2], $0x80, v3, vm0, $0xb8;
	[tilespmem:$0x10100] =	vst v63  }
0x79: {  	_ = 	snop  }
0x7a: {  	[tilespmem:s24], [sflag:$0x1] =	stream.indirect_vreg.gather [hbm4b:s4+s2], $0x80, v3, vm0, $0xb8;
	[tilespmem:$0x10100] =	vst v63  }
0x7b: {  	v3 =	vld [tilespmem:$0x100A0];
	_ =	sdelay $0x4  }
0x7c: {  	v54 =	vshll.u32 v3, $0x2  }
0x7d: {  	v3 =	vand.u32 $0x7, v3;
	v4 =	vand.u32 $0xFFFFFFE0, v54  }
0x7e: {  	v3 =	vor.u32 v3, v4  }
0x7f: {  	v4 =	vperm.xlane v3, v0;
	_ =	sdelay $0x1  }
0x80: {  	v4 =	vadd.s32 v1, v4;
	_ =	sdelay $0x1  }
0x81: {  	v3 =	vperm.xlane v3, v2;
	_ =	sdelay $0x1  }
0x82: {  	s15 =	simm.s32 $0xC000;
	v3 =	vadd.s32 v1, v3  }
0x83: {  	[tilespmem:s15], [sflag:$0x1] =	stream.indirect_vreg.gather [hbm4b:s3+s2], $0x80, v4, vm0, $0xb8;
	[tilespmem:$0x10100] =	vst v63  }
0x84: {  	s15 =	simm.s32 $0xC800  }
0x85: {  	[tilespmem:s15], [sflag:$0x1] =	stream.indirect_vreg.gather [hbm4b:s4+s2], $0x80, v4, vm0, $0xb8;
	[tilespmem:$0x10100] =	vst v63  }
0x86: {  	s15 =	simm.s32 $0xD000  }
0x87: {  	[tilespmem:s15], [sflag:$0x1] =	stream.indirect_vreg.gather [hbm4b:s3+s2], $0x80, v3, vm0, $0xb8;
	[tilespmem:$0x10100] =	vst v63  }
0x88: {  	s15 =	simm.s32 $0xD800  }
0x89: {  	[tilespmem:s15], [sflag:$0x1] =	stream.indirect_vreg.gather [hbm4b:s4+s2], $0x80, v3, vm0, $0xb8;
	[tilespmem:$0x10100] =	vst v63  }
0x8a: {  	v3 =	vld [tilespmem:$0x100B0];
	_ =	sdelay $0x4  }
0x8b: {  	v55 =	vshll.u32 v3, $0x2  }
0x8c: {  	v3 =	vand.u32 $0x7, v3;
	v4 =	vand.u32 $0xFFFFFFE0, v55  }
0x8d: {  	v3 =	vor.u32 v3, v4  }
0x8e: {  	v4 =	vperm.xlane v3, v0;
	_ =	sdelay $0x1  }
0x8f: {  	v4 =	vadd.s32 v1, v4;
	_ =	sdelay $0x1  }
0x90: {  	v3 =	vperm.xlane v3, v2;
	_ =	sdelay $0x1  }
0x91: {  	s15 =	simm.s32 $0xE000;
	v3 =	vadd.s32 v1, v3  }
0x92: {  	[tilespmem:s15], [sflag:$0x1] =	stream.indirect_vreg.gather [hbm4b:s3+s2], $0x80, v4, vm0, $0xb8;
	[tilespmem:$0x10100] =	vst v63  }
0x93: {  	s15 =	simm.s32 $0xE800  }
0x94: {  	[tilespmem:s15], [sflag:$0x1] =	stream.indirect_vreg.gather [hbm4b:s4+s2], $0x80, v4, vm0, $0xb8;
	[tilespmem:$0x10100] =	vst v63  }
0x95: {  	s15 =	simm.s32 $0xF000  }
0x96: {  	[tilespmem:s15], [sflag:$0x1] =	stream.indirect_vreg.gather [hbm4b:s3+s2], $0x80, v3, vm0, $0xb8;
	[tilespmem:$0x10100] =	vst v63  }
0x97: {  	s15 =	simm.s32 $0xF800  }
0x98: {  	[tilespmem:s15], [sflag:$0x1] =	stream.indirect_vreg.gather [hbm4b:s4+s2], $0x80, v3, vm0, $0xb8;
	[tilespmem:$0x10100] =	vst v63  }
0x99: {  	_ =	swait.ge [sflag:s8], $0x8000  }
0x9a: {  	[sflag:s8] =	ssyncset.done $0x0  }
0x9b: {  	[sflag:s8] =	ssyncadd.s32 $0xFFFF8000  }
0x9c: {  	_ =	swait.ge [sflag:s8], $0x8000  }
0x9d: {  	[sflag:s8] =	ssyncset.done $0x0  }
0x9e: {  	s14 =	rddreg [dreg:$0x5];
	[sflag:s8] =	ssyncadd.s32 $0xFFFF8000  }
0x9f: {  	[hbm4b:s14+s2] =	stream.linear.scatter [tilespmem:s2], [sflag:$0x1], $0x8000, $0x38;
	[tilespmem:$0x10100] =	vst v63  }
0xa0: {  	s15 =	rddreg [dreg:$0x6]  }
0xa1: {  	[hbm4b:s15+s2] =	stream.linear.scatter [tilespmem:s0], [sflag:$0x1], $0x8000, $0x38;
	[tilespmem:$0x10100] =	vst v63  }
0xa2: {  	_ =	swait.ge [sflag:s8], $0x8000  }
0xa3: {  	[sflag:s8] =	ssyncset.done $0x0  }
0xa4: {  	[sflag:s8] =	ssyncadd.s32 $0xFFFF8000  }
0xa5: {  	_ =	swait.ge [sflag:s8], $0x8000  }
0xa6: {  	[sflag:s8] =	ssyncset.done $0x0  }
0xa7: {  	s14 =	rddreg [dreg:$0x7];
	[sflag:s8] =	ssyncadd.s32 $0xFFFF8000  }
0xa8: {  	[tilespmem:s16], [sflag:$0x1] =	stream.linear.gather [hbm4b:s14+s2], $0x40, $0x38;
	[tilespmem:$0x10100] =	vst v63  }
0xa9: {  	s15 =	rddreg [dreg:$0x8]  }
0xaa: {  	[tilespmem:s17], [sflag:$0x1] =	stream.linear.gather [hbm4b:s15+s2], $0x40, $0x38;
	[tilespmem:$0x10100] =	vst v63  }
0xab: {  	_ =	swait.ge [sflag:s8], $0x40  }
0xac: {  	[sflag:s8] =	ssyncset.done $0x0  }
0xad: {  	[sflag:s8] =	ssyncadd.s32 $0xFFFFFFC0  }
0xae: {  	_ =	swait.ge [sflag:s8], $0x40  }
0xaf: {  	[sflag:s8] =	ssyncset.done $0x0  }
0xb0: {  	[sflag:s8] =	ssyncadd.s32 $0xFFFFFFC0  }
0xb1: {  	v3 =	vld [tilespmem:$0x10000];
	_ =	sdelay $0x4  }
0xb2: {  	v56 =	vshll.u32 v3, $0x2  }
0xb3: {  	v3 =	vand.u32 $0x7, v3;
	v4 =	vand.u32 $0xFFFFFFE0, v56  }
0xb4: {  	v3 =	vor.u32 v3, v4  }
0xb5: {  	v4 =	vperm.xlane v3, v0;
	_ =	sdelay $0x1  }
0xb6: {  	v4 =	vadd.s32 v1, v4;
	_ =	sdelay $0x1  }
0xb7: {  	v3 =	vperm.xlane v3, v2;
	_ =	sdelay $0x1  }
0xb8: {  	v3 =	vadd.s32 v1, v3  }
0xb9: {  	[tilespmem:s2], [sflag:$0x1] =	stream.indirect_vreg.gather [hbm4b:s3+s2], $0x80, v4, vm0, $0xb8;
	[tilespmem:$0x10100] =	vst v63  }
0xba: {  	_ = 	snop  }
0xbb: {  	[tilespmem:s18], [sflag:$0x1] =	stream.indirect_vreg.gather [hbm4b:s4+s2], $0x80, v4, vm0, $0xb8;
	[tilespmem:$0x10100] =	vst v63  }
0xbc: {  	_ = 	snop  }
0xbd: {  	[tilespmem:s19], [sflag:$0x1] =	stream.indirect_vreg.gather [hbm4b:s3+s2], $0x80, v3, vm0, $0xb8;
	[tilespmem:$0x10100] =	vst v63  }
0xbe: {  	_ = 	snop  }
0xbf: {  	[tilespmem:s20], [sflag:$0x1] =	stream.indirect_vreg.gather [hbm4b:s4+s2], $0x80, v3, vm0, $0xb8;
	[tilespmem:$0x10100] =	vst v63  }
0xc0: {  	v3 =	vld [tilespmem:$0x10010];
	_ =	sdelay $0x4  }
0xc1: {  	v57 =	vshll.u32 v3, $0x2  }
0xc2: {  	v3 =	vand.u32 $0x7, v3;
	v4 =	vand.u32 $0xFFFFFFE0, v57  }
0xc3: {  	v3 =	vor.u32 v3, v4  }
0xc4: {  	v4 =	vperm.xlane v3, v0;
	_ =	sdelay $0x1  }
0xc5: {  	v4 =	vadd.s32 v1, v4;
	_ =	sdelay $0x1  }
0xc6: {  	v3 =	vperm.xlane v3, v2;
	_ =	sdelay $0x1  }
0xc7: {  	v3 =	vadd.s32 v1, v3  }
0xc8: {  	[tilespmem:s21], [sflag:$0x1] =	stream.indirect_vreg.gather [hbm4b:s3+s2], $0x80, v4, vm0, $0xb8;
	[tilespmem:$0x10100] =	vst v63  }
0xc9: {  	_ = 	snop  }
0xca: {  	[tilespmem:s22], [sflag:$0x1] =	stream.indirect_vreg.gather [hbm4b:s4+s2], $0x80, v4, vm0, $0xb8;
	[tilespmem:$0x10100] =	vst v63  }
0xcb: {  	_ = 	snop  }
0xcc: {  	[tilespmem:s23], [sflag:$0x1] =	stream.indirect_vreg.gather [hbm4b:s3+s2], $0x80, v3, vm0, $0xb8;
	[tilespmem:$0x10100] =	vst v63  }
0xcd: {  	_ = 	snop  }
0xce: {  	[tilespmem:s25], [sflag:$0x1] =	stream.indirect_vreg.gather [hbm4b:s4+s2], $0x80, v3, vm0, $0xb8;
	[tilespmem:$0x10100] =	vst v63  }
0xcf: {  	v3 =	vld [tilespmem:$0x10020];
	_ =	sdelay $0x4  }
0xd0: {  	v58 =	vshll.u32 v3, $0x2  }
0xd1: {  	v3 =	vand.u32 $0x7, v3;
	v4 =	vand.u32 $0xFFFFFFE0, v58  }
0xd2: {  	v3 =	vor.u32 v3, v4  }
0xd3: {  	v4 =	vperm.xlane v3, v0;
	_ =	sdelay $0x1  }
0xd4: {  	v4 =	vadd.s32 v1, v4;
	_ =	sdelay $0x1  }
0xd5: {  	v3 =	vperm.xlane v3, v2;
	_ =	sdelay $0x1  }
0xd6: {  	v3 =	vadd.s32 v1, v3  }
0xd7: {  	[tilespmem:s26], [sflag:$0x1] =	stream.indirect_vreg.gather [hbm4b:s3+s2], $0x80, v4, vm0, $0xb8;
	[tilespmem:$0x10100] =	vst v63  }
0xd8: {  	_ = 	snop  }
0xd9: {  	[tilespmem:s28], [sflag:$0x1] =	stream.indirect_vreg.gather [hbm4b:s4+s2], $0x80, v4, vm0, $0xb8;
	[tilespmem:$0x10100] =	vst v63  }
0xda: {  	_ = 	snop  }
0xdb: {  	[tilespmem:s29], [sflag:$0x1] =	stream.indirect_vreg.gather [hbm4b:s3+s2], $0x80, v3, vm0, $0xb8;
	[tilespmem:$0x10100] =	vst v63  }
0xdc: {  	_ = 	snop  }
0xdd: {  	[tilespmem:s30], [sflag:$0x1] =	stream.indirect_vreg.gather [hbm4b:s4+s2], $0x80, v3, vm0, $0xb8;
	[tilespmem:$0x10100] =	vst v63  }
0xde: {  	v3 =	vld [tilespmem:$0x10030];
	_ =	sdelay $0x4  }
0xdf: {  	v59 =	vshll.u32 v3, $0x2  }
0xe0: {  	v3 =	vand.u32 $0x7, v3;
	v4 =	vand.u32 $0xFFFFFFE0, v59  }
0xe1: {  	v3 =	vor.u32 v3, v4  }
0xe2: {  	v4 =	vperm.xlane v3, v0;
	_ =	sdelay $0x1  }
0xe3: {  	v4 =	vadd.s32 v1, v4;
	_ =	sdelay $0x1  }
0xe4: {  	v3 =	vperm.xlane v3, v2;
	_ =	sdelay $0x1  }
0xe5: {  	v3 =	vadd.s32 v1, v3  }
0xe6: {  	[tilespmem:s31], [sflag:$0x1] =	stream.indirect_vreg.gather [hbm4b:s3+s2], $0x80, v4, vm0, $0xb8;
	[tilespmem:$0x10100] =	vst v63  }
0xe7: {  	s15 =	simm.s32 $0x6800  }
0xe8: {  	[tilespmem:s15], [sflag:$0x1] =	stream.indirect_vreg.gather [hbm4b:s4+s2], $0x80, v4, vm0, $0xb8;
	[tilespmem:$0x10100] =	vst v63  }
0xe9: {  	_ = 	snop  }
0xea: {  	[tilespmem:s1], [sflag:$0x1] =	stream.indirect_vreg.gather [hbm4b:s3+s2], $0x80, v3, vm0, $0xb8;
	[tilespmem:$0x10100] =	vst v63  }
0xeb: {  	_ = 	snop  }
0xec: {  	[tilespmem:s6], [sflag:$0x1] =	stream.indirect_vreg.gather [hbm4b:s4+s2], $0x80, v3, vm0, $0xb8;
	[tilespmem:$0x10100] =	vst v63  }
0xed: {  	v3 =	vld [tilespmem:$0x10080];
	_ =	sdelay $0x4  }
0xee: {  	v60 =	vshll.u32 v3, $0x2  }
0xef: {  	v3 =	vand.u32 $0x7, v3;
	v4 =	vand.u32 $0xFFFFFFE0, v60  }
0xf0: {  	v3 =	vor.u32 v3, v4  }
0xf1: {  	v4 =	vperm.xlane v3, v0;
	_ =	sdelay $0x1  }
0xf2: {  	v4 =	vadd.s32 v1, v4;
	_ =	sdelay $0x1  }
0xf3: {  	v3 =	vperm.xlane v3, v2;
	_ =	sdelay $0x1  }
0xf4: {  	v3 =	vadd.s32 v1, v3  }
0xf5: {  	[tilespmem:s0], [sflag:$0x1] =	stream.indirect_vreg.gather [hbm4b:s3+s2], $0x80, v4, vm0, $0xb8;
	[tilespmem:$0x10100] =	vst v63  }
0xf6: {  	_ = 	snop  }
0xf7: {  	[tilespmem:s7], [sflag:$0x1] =	stream.indirect_vreg.gather [hbm4b:s4+s2], $0x80, v4, vm0, $0xb8;
	[tilespmem:$0x10100] =	vst v63  }
0xf8: {  	_ = 	snop  }
0xf9: {  	[tilespmem:s9], [sflag:$0x1] =	stream.indirect_vreg.gather [hbm4b:s3+s2], $0x80, v3, vm0, $0xb8;
	[tilespmem:$0x10100] =	vst v63  }
0xfa: {  	_ = 	snop  }
0xfb: {  	[tilespmem:s10], [sflag:$0x1] =	stream.indirect_vreg.gather [hbm4b:s4+s2], $0x80, v3, vm0, $0xb8;
	[tilespmem:$0x10100] =	vst v63  }
0xfc: {  	v3 =	vld [tilespmem:$0x10090];
	_ =	sdelay $0x4  }
0xfd: {  	v61 =	vshll.u32 v3, $0x2  }
0xfe: {  	v3 =	vand.u32 $0x7, v3;
	v4 =	vand.u32 $0xFFFFFFE0, v61  }
0xff: {  	v3 =	vor.u32 v3, v4  }
0x100: {  	v4 =	vperm.xlane v3, v0;
	_ =	sdelay $0x1  }
0x101: {  	v4 =	vadd.s32 v1, v4;
	_ =	sdelay $0x1  }
0x102: {  	v3 =	vperm.xlane v3, v2;
	_ =	sdelay $0x1  }
0x103: {  	v3 =	vadd.s32 v1, v3  }
0x104: {  	[tilespmem:s11], [sflag:$0x1] =	stream.indirect_vreg.gather [hbm4b:s3+s2], $0x80, v4, vm0, $0xb8;
	[tilespmem:$0x10100] =	vst v63  }
0x105: {  	_ = 	snop  }
0x106: {  	[tilespmem:s12], [sflag:$0x1] =	stream.indirect_vreg.gather [hbm4b:s4+s2], $0x80, v4, vm0, $0xb8;
	[tilespmem:$0x10100] =	vst v63  }
0x107: {  	_ = 	snop  }
0x108: {  	[tilespmem:s13], [sflag:$0x1] =	stream.indirect_vreg.gather [hbm4b:s3+s2], $0x80, v3, vm0, $0xb8;
	[tilespmem:$0x10100] =	vst v63  }
0x109: {  	_ = 	snop  }
0x10a: {  	[tilespmem:s24], [sflag:$0x1] =	stream.indirect_vreg.gather [hbm4b:s4+s2], $0x80, v3, vm0, $0xb8;
	[tilespmem:$0x10100] =	vst v63  }
0x10b: {  	v3 =	vld [tilespmem:$0x100A0];
	_ =	sdelay $0x4  }
0x10c: {  	v62 =	vshll.u32 v3, $0x2  }
0x10d: {  	v3 =	vand.u32 $0x7, v3;
	v4 =	vand.u32 $0xFFFFFFE0, v62  }
0x10e: {  	v3 =	vor.u32 v3, v4  }
0x10f: {  	v4 =	vperm.xlane v3, v0;
	_ =	sdelay $0x1  }
0x110: {  	v4 =	vadd.s32 v1, v4;
	_ =	sdelay $0x1  }
0x111: {  	v3 =	vperm.xlane v3, v2;
	_ =	sdelay $0x1  }
0x112: {  	s15 =	simm.s32 $0xC000;
	v3 =	vadd.s32 v1, v3  }
0x113: {  	[tilespmem:s15], [sflag:$0x1] =	stream.indirect_vreg.gather [hbm4b:s3+s2], $0x80, v4, vm0, $0xb8;
	[tilespmem:$0x10100] =	vst v63  }
0x114: {  	s14 =	simm.s32 $0xC800  }
0x115: {  	[tilespmem:s14], [sflag:$0x1] =	stream.indirect_vreg.gather [hbm4b:s4+s2], $0x80, v4, vm0, $0xb8;
	[tilespmem:$0x10100] =	vst v63  }
0x116: {  	s15 =	simm.s32 $0xD000  }
0x117: {  	[tilespmem:s15], [sflag:$0x1] =	stream.indirect_vreg.gather [hbm4b:s3+s2], $0x80, v3, vm0, $0xb8;
	[tilespmem:$0x10100] =	vst v63  }
0x118: {  	s14 =	simm.s32 $0xD800  }
0x119: {  	[tilespmem:s14], [sflag:$0x1] =	stream.indirect_vreg.gather [hbm4b:s4+s2], $0x80, v3, vm0, $0xb8;
	[tilespmem:$0x10100] =	vst v63  }
0x11a: {  	v3 =	vld [tilespmem:$0x100B0];
	_ =	sdelay $0x4  }
0x11b: {  	v63 =	vshll.u32 v3, $0x2  }
0x11c: {  	v3 =	vand.u32 $0x7, v3;
	v4 =	vand.u32 $0xFFFFFFE0, v63  }
0x11d: {  	v3 =	vor.u32 v3, v4  }
0x11e: {  	v4 =	vperm.xlane v3, v0;
	_ =	sdelay $0x1  }
0x11f: {  	v4 =	vadd.s32 v1, v4;
	_ =	sdelay $0x1  }
0x120: {  	v3 =	vperm.xlane v3, v2;
	_ =	sdelay $0x1  }
0x121: {  	s15 =	simm.s32 $0xE000;
	v3 =	vadd.s32 v1, v3  }
0x122: {  	[tilespmem:s15], [sflag:$0x1] =	stream.indirect_vreg.gather [hbm4b:s3+s2], $0x80, v4, vm0, $0xb8;
	[tilespmem:$0x10100] =	vst v63  }
0x123: {  	s14 =	simm.s32 $0xE800  }
0x124: {  	[tilespmem:s14], [sflag:$0x1] =	stream.indirect_vreg.gather [hbm4b:s4+s2], $0x80, v4, vm0, $0xb8;
	[tilespmem:$0x10100] =	vst v63  }
0x125: {  	s15 =	simm.s32 $0xF000  }
0x126: {  	[tilespmem:s15], [sflag:$0x1] =	stream.indirect_vreg.gather [hbm4b:s3+s2], $0x80, v3, vm0, $0xb8;
	[tilespmem:$0x10100] =	vst v63  }
0x127: {  	s14 =	simm.s32 $0xF800  }
0x128: {  	[tilespmem:s14], [sflag:$0x1] =	stream.indirect_vreg.gather [hbm4b:s4+s2], $0x80, v3, vm0, $0xb8;
	[tilespmem:$0x10100] =	vst v63  }
0x129: {  	_ =	swait.ge [sflag:s8], $0x8000  }
0x12a: {  	[sflag:s8] =	ssyncset.done $0x0  }
0x12b: {  	[sflag:s8] =	ssyncadd.s32 $0xFFFF8000  }
0x12c: {  	_ =	swait.ge [sflag:s8], $0x8000  }
0x12d: {  	[sflag:s8] =	ssyncset.done $0x0  }
0x12e: {  	s15 =	rddreg [dreg:$0x9];
	[sflag:s8] =	ssyncadd.s32 $0xFFFF8000  }
0x12f: {  	[hbm4b:s15+s2] =	stream.linear.scatter [tilespmem:s2], [sflag:$0x1], $0x8000, $0x38;
	[tilespmem:$0x10100] =	vst v63  }
0x130: {  	s1 =	rddreg [dreg:$0xa]  }
0x131: {  	[hbm4b:s1+s2] =	stream.linear.scatter [tilespmem:s0], [sflag:$0x1], $0x8000, $0x38;
	[tilespmem:$0x10100] =	vst v63  }
0x132: {  	p0 =	sne.s32 s5, $0x1;
	_ =	swait.ge [sflag:s8], $0x8000  }
.Ltmp0:
0x133: {  	[sflag:s8] =	ssyncset.done $0x0;
	(pc) =	sbr.rel @p0 .LBB2_1-.Ltmp0, $4  }
0x134: {  	[sflag:s8] =	ssyncadd.s32 $0xFFFF8000  }
0x135: {  	_ =	swait.ge [sflag:s8], $0x8000  }
0x136: {  	[sflag:s8] =	ssyncset.done $0x0  }
0x137: {  	s5 =	sadd.s32 $0xFFFFFFFF, s5;
	[sflag:s8] =	ssyncadd.s32 $0xFFFF8000  }
0x138: {  	_ =	sfence.sel $0x180000  }
0x139: {  	[bflag:$0x0] =	sbarrier.arrive $0xFFFF  }
0x13a: {  	_ =	strace $0x9000004A  }
0x13b: {  	s0 =	stileid.u32;
	[bflag:$0x2] =	sbarrier.arrive $0xFFFF  }
0x13c: {  	p0 =	sne.s32 s0, $0x0;
	s0 =	rddreg [dreg:$0x2]  }
0x13d: {  	s0 =	sadd.s32 @!p0 $0x100000, s0  }
0x13e: {  	[sflag:s0] =	ssyncadd.tile.s32 @!p0 $0x1;
	_ =	shalt  }
.Lfunc_end2:
_tile_overlayer_lowered:
.L_overlay_start_2:
0x13f: {  	(tag) =	ssettag $0x2  }
0x140: {  	s0 =	rddreg [dreg:$0x0];
	s2 =	stileid.u32  }
0x141: {  	s1 =	rddreg [dreg:$0x1];
	p0 =	sne.s32 s2, $0x0  }
0x142: {  	s3 =	rddreg [dreg:$0x2];
	[bflag:$0x3] =	sbarrier.arrive $0xFFFF;
	s2 =	simm.s32 @!p0 $0x1C02  }
0x143: {  	[timem:s3], [sflag:s2] =	dma.local @!p0 [hbm:s0], s1  }
0x144: {  	s0 =	simm.s32 @!p0 $0x2  }
0x145: {  	_ =	swait.ge @!p0 [sflag:s0], s1  }
0x146: {  	s1 =	ssub.s32 @!p0 $0x0, s1;
	[sflag:s0] =	ssyncset.done @!p0 $0x0  }
0x147: {  	[sflag:s0] =	ssyncadd.s32 @!p0 s1  }
0x148: {  	[bflag:$0x3] =	sbarrier.arrive $0xFFFF  }
0x149: {  	_ =	shalt  }

// kernel: kernel.9.cloned.1.call-start
scs
__scs_entry_jumppad:
0x0: {  	(pc) =	sbr.rel $0x88, $3  }
0x1: {  	(tag) =	ssettag $0x0;
	lr =	simm.s32 $0x1  }
0x2: {  	[smem:$0x3F9A] =	sst lr;
	_ =	strace $0xD0000000  }
0x3: {  	_ = 	snop  }
0x4: {  	_ = 	snop  }
0x5: {  	_ = 	snop  }
0x6: {  	_ = 	snop  }
0x7: {  	_ = 	snop  }
__scs_overlays_trampoline_lowered:
0x8: {  	[smem:$0x3FA9] =	sst s0  }
0x9: {  	[smem:$0x3FAA] =	sst s1  }
0xa: {  	[smem:$0x3FAB] =	sst s2  }
0xb: {  	[smem:$0x3FAC] =	sst s3  }
0xc: {  	[smem:$0x3FAD] =	sst s4  }
0xd: {  	[smem:$0x3FAE] =	sst s5  }
0xe: {  	[smem:$0x3FAF] =	sst s6  }
0xf: {  	[smem:$0x3FB0] =	sst s7  }
0x10: {  	[smem:$0x3FB1] =	sst s8  }
0x11: {  	[smem:$0x3FB2] =	sst s9;
	s0 =	simm.s32 @!p0 $0x0  }
0x12: {  	s1 =	sld [smem:$0x3F98];
	s0 =	simm.s32 @p0 $0x1  }
0x13: {  	[smem:$0x3FB3] =	sst s0;
	s0 =	simm.s32 @!p1 $0x0  }
0x14: {  	s2 =	sld [smem:$0x3F97];
	s0 =	simm.s32 @p1 $0x1  }
0x15: {  	[smem:$0x3FB4] =	sst s0;
	s0 =	simm.s32 @!p2 $0x0  }
0x16: {  	s3 =	sld [smem:$0x3FDB];
	s0 =	simm.s32 @p2 $0x1  }
0x17: {  	s4 =	simm.s32 $0x1BF5;
	[smem:$0x3FB6] =	sst s0  }
0x18: {  	s0 =	sld [smem:$0x3F99];
	_ =	swait.ge [sflag:s4], $0x0  }
0x19: {  	s7 =	sld [smem:$0x3F9A]  }
0x1a: {  	s8 =	sadd.s32 $0xFFFFE003, lr  }
0x1b: {  	s9 =	sadd.s32 $0xFFFFFEF7, lr;
	s5 =	simm.s32 $0xFFFFFFFF;
	p2 =	slt.u32 s8, $0xFFFFF086  }
0x1c: {  	p1 =	slt.u32 s9, $0xF7A;
	s5 =	simm.s32 @!p2 $0x0  }
0x1d: {  	s5 =	simm.s32 @p1 $0x1;
	p0 =	seq.s32 s7, s2  }
0x1e: {  	s7 =	smul.u32 @!p0 $0xF7A, s2;
	p2 =	seq.s32 @!p0 s5, $0x0  }
0x1f: {  	s9 =	smul.u32 $0xF7A, s1;
	s8 =	simm.s32 @!p0 $0x1BF5;
	p2 =	por !p2, p0  }
0x20: {  	[sflag:s8] =	ssyncset.s32 @!p0 $0xFFFFF086;
	s6 =	sadd.s32 @!p0 s3, s7;
	s7 =	simm.s32 @!p0 $0x108  }
0x21: {  	s3 =	sadd.s32 s3, s9;
	s6 =	sadd.s32 @!p0 $0x88, s6;
	s7 =	simm.s32 @p2 $0x1082  }
0x22: {  	[simem:s7], [sflag:s8] =	dma.local @!p0 [hbm:s6], $0xF7A  }
0x23: {  	s9 =	sor.u32 $0xD0000000, s2;
	s6 =	simm.s32 $0x108;
	_ =	swait.ge @!p0 [sflag:s8], $0x0  }
0x24: {  	s3 =	sadd.s32 $0x88, s3;
	s6 =	simm.s32 @!p1 $0x1082;
	[sflag:s4] =	ssyncset.s32 $0xFFFFF086  }
0x25: {  	[simem:s6], [sflag:s4] =	dma.local [hbm:s3], $0xF7A  }
0x26: {  	[smem:$0x3F9A] =	sst s1;
	(tag) =	ssettag s2;
	_ =	strace s9  }
0x27: {  	s1 =	sld [smem:$0x3FAA]  }
0x28: {  	s2 =	sld [smem:$0x3FAB]  }
0x29: {  	s4 =	sld [smem:$0x3FAD]  }
0x2a: {  	p0 =	seq.s32 s5, $0x0;
	s5 =	sld [smem:$0x3FAE]  }
0x2b: {  	s6 =	sld [smem:$0x3FAF]  }
0x2c: {  	s7 =	sld [smem:$0x3FB0]  }
0x2d: {  	s3 =	simm.s32 $0x108;
	s8 =	sld [smem:$0x3FB1]  }
0x2e: {  	s3 =	simm.s32 @!p0 $0x1082;
	s9 =	sld [smem:$0x3FB2]  }
0x2f: {  	lr =	sadd.s32 s0, s3;
	s0 =	sld [smem:$0x3FA9]  }
0x30: {  	s3 =	sld [smem:$0x3FAC]  }
0x31: {  	[smem:$0x3FB5] =	sst s10  }
0x32: {  	s10 =	sld [smem:$0x3FB3];
	_ =	sdelay $0x3  }
0x33: {  	p0 =	seq.s32 s10, $0x1;
	s10 =	sld [smem:$0x3FB5];
	_ =	sdelay $0x3  }
0x34: {  	[smem:$0x3FB5] =	sst s10  }
0x35: {  	s10 =	sld [smem:$0x3FB4];
	_ =	sdelay $0x3  }
0x36: {  	p1 =	seq.s32 s10, $0x1;
	s10 =	sld [smem:$0x3FB5];
	_ =	sdelay $0x3  }
0x37: {  	[smem:$0x3FB5] =	sst s10  }
0x38: {  	s10 =	sld [smem:$0x3FB6]  }
0x39: {  	_ = 	snop;
	(pc) =	sbr.ind lr, $3  }
0x3a: {  	_ = 	snop  }
0x3b: {  	_ = 	snop  }
0x3c: {  	p2 =	seq.s32 s10, $0x1;
	s10 =	sld [smem:$0x3FB5]  }
0x3d: {  	_ =	shalt  }
0x3e: {  	_ =	shalt  }
0x3f: {  	_ =	shalt  }
0x40: {  	_ =	shalt  }
0x41: {  	_ =	shalt  }
0x42: {  	_ =	shalt  }
0x43: {  	_ =	shalt  }
0x44: {  	_ =	shalt  }
0x45: {  	_ =	shalt  }
0x46: {  	_ =	shalt  }
0x47: {  	_ =	shalt  }
0x48: {  	_ =	shalt  }
0x49: {  	_ =	shalt  }
0x4a: {  	_ =	shalt  }
0x4b: {  	_ =	shalt  }
0x4c: {  	_ =	shalt  }
0x4d: {  	_ =	shalt  }
0x4e: {  	_ =	shalt  }
0x4f: {  	_ =	shalt  }
0x50: {  	_ =	shalt  }
0x51: {  	_ =	shalt  }
0x52: {  	_ =	shalt  }
0x53: {  	_ =	shalt  }
0x54: {  	_ =	shalt  }
0x55: {  	_ =	shalt  }
0x56: {  	_ =	shalt  }
0x57: {  	_ =	shalt  }
0x58: {  	_ =	shalt  }
0x59: {  	_ =	shalt  }
0x5a: {  	_ =	shalt  }
0x5b: {  	_ =	shalt  }
0x5c: {  	_ =	shalt  }
0x5d: {  	_ =	shalt  }
0x5e: {  	_ =	shalt  }
0x5f: {  	_ =	shalt  }
0x60: {  	_ =	shalt  }
0x61: {  	_ =	shalt  }
0x62: {  	_ =	shalt  }
0x63: {  	_ =	shalt  }
0x64: {  	_ =	shalt  }
0x65: {  	_ =	shalt  }
0x66: {  	_ =	shalt  }
0x67: {  	_ =	shalt  }
0x68: {  	_ =	shalt  }
0x69: {  	_ =	shalt  }
0x6a: {  	_ =	shalt  }
0x6b: {  	_ =	shalt  }
0x6c: {  	_ =	shalt  }
0x6d: {  	_ =	shalt  }
0x6e: {  	_ =	shalt  }
0x6f: {  	_ =	shalt  }
0x70: {  	_ =	shalt  }
0x71: {  	_ =	shalt  }
0x72: {  	_ =	shalt  }
0x73: {  	_ =	shalt  }
0x74: {  	_ =	shalt  }
0x75: {  	_ =	shalt  }
0x76: {  	_ =	shalt  }
0x77: {  	_ =	shalt  }
0x78: {  	_ =	shalt  }
0x79: {  	_ =	shalt  }
0x7a: {  	_ =	shalt  }
0x7b: {  	_ =	shalt  }
0x7c: {  	_ =	shalt  }
0x7d: {  	_ =	shalt  }
0x7e: {  	_ =	shalt  }
0x7f: {  	_ =	shalt  }
0x80: {  	_ =	shalt  }
0x81: {  	_ =	shalt  }
0x82: {  	_ =	shalt  }
0x83: {  	_ =	shalt  }
0x84: {  	_ =	shalt  }
0x85: {  	_ =	shalt  }
0x86: {  	_ =	shalt  }
0x87: {  	_ =	shalt  }
.Lfunc_end0:
.L_simem_size_0:
called_computation_lowered:
.L_overlay_start_0:
0x88: {  	s2 =	sld [smem:$0x3FD9]  }
0x89: {  	s3 =	sld [smem:$0x3FFE];
	_ =	sdelay $0x1  }
0x8a: {  	s1 =	srdreg.scid  }
0x8b: {  	s0 =	sand.u32 $0x1, s1  }
0x8c: {  	s16 =	sshll.u32 s0, $0xA;
	s2 =	sadd.s32 s3, s2  }
0x8d: {  	s2 =	sadd.s32 s2, s16  }
0x8e: {  	[smem:$0x3FC1] =	sst s2  }
0x8f: {  	_ = 	snop  }
0x90: {  	(tm) =	ssettm $0x1  }
0x91: {  	s17 =	sld [smem:$0x3FFB];
	_ =	sdelay $0x3  }
0x92: {  	_ =	strace s17  }
0x93: {  	s2 =	sld [smem:$0x3FFC];
	_ =	sdelay $0x3  }
0x94: {  	_ =	strace s2  }
0x95: {  	s2 =	sld [smem:$0x3FFD];
	_ =	sdelay $0x3  }
0x96: {  	_ =	strace s2  }
0x97: {  	_ =	strace $0x8FFFFFFF  }
0x98: {  	s18 =	sld [smem:$0x3FDB];
	_ =	sdelay $0x1  }
0x99: {  	s19 =	simm.s32 $_scs_section_size  }
0x9a: {  	s4 =	simm.s32 $_size__tile_overlayer_lowered;
	s5 =	simm.s32 $_tile_overlayer_lowered  }
0x9b: {  	s22 =	simm.s32 $0x1BFF;
	s21 =	sshll.u32 s5, $0x1;
	s2 =	sadd.s32 s19, s18  }
0x9c: {  	s6 =	simm.s32 $0x0;
	s20 =	sshll.u32 s4, $0x1;
	s4 =	sadd.s32 s21, s2  }
0x9d: {  	[timem:s6], [sflag:s22] =	dma.local [hbm:s4], s20  }
0x9e: {  	_ =	swait.ge [sflag:s22], s20  }
0x9f: {  	s3 =	ssub.s32 $0x0, s20;
	[sflag:s22] =	ssyncset.done $0x0  }
0xa0: {  	[sflag:s22] =	ssyncadd.s32 s3;
	_ =	sdelay $0x1  }
0xa1: {  	s23 =	simm.s32 $0x1B8B  }
0xa2: {  	_ =	swait.ge [sflag:s23], $0x1  }
0xa3: {  	[sflag:s23] =	ssyncset.done $0x0  }
0xa4: {  	s25 =	simm.s32 $0x1B8E;
	s24 =	sld [smem:$0x3FFE];
	[sflag:s23] =	ssyncadd.s32 $0xFFFFFFFF  }
0xa5: {  	s26 =	simm.s32 $execute0_lowered;
	[smem:$0x3FD2] =	sst s25  }
0xa6: {  	s4 =	sshll.u32 s26, $0x1;
	_ =	strace $0x80000046;
	[dreg:$0x1] =	wrdreg $0xFFFFFFFF  }
0xa7: {  	s28 =	simm.s32 $_size_execute0_lowered;
	s2 =	sadd.s32 s2, s4;
	[dreg:$0x0] =	wrdreg $0x0  }
0xa8: {  	s4 =	sshll.u32 s28, $0x1;
	[dreg:$0x2] =	wrdreg s2  }
0xa9: {  	[dreg:$0x3] =	wrdreg s4  }
0xaa: {  	[dreg:$0x4] =	wrdreg $0xC0  }
0xab: {  	_ =	task [dreg:s6], $0x5FFFF  }
0xac: {  	[dreg:$0x1] =	wrdreg $0xFFFFFFFF  }
0xad: {  	[dreg:$0x0] =	wrdreg $0x60  }
0xae: {  	[dreg:$0x2] =	wrdreg s24  }
0xaf: {  	[dreg:$0x3] =	wrdreg $0x9  }
0xb0: {  	_ =	task.clear_ibuf [dreg:s6], $0x4FFFF;
	_ =	strace $0x90000046  }
0xb1: {  	s29 =	simm.s32 $0x9;
	_ =	strace $0x80000048  }
0xb2: {  	_ =	swait.ge [sflag:s29], $0x1  }
0xb3: {  	[sflag:s29] =	ssyncadd.s32 $0xFFFFFFFF  }
0xb4: {  	_ =	strace $0x90000048  }
0xb5: {  	_ =	sfence  }
0xb6: {  	s30 =	sld [smem:$0x0];
	_ =	sdelay $0x2  }
0xb7: {  	s31 =	sshll.u32 s1, $0xD;
	s1 =	sshrl.u32 s1, $0x2  }
0xb8: {  	s3 =	sand.u32 $0x4000, s31;
	s1 =	sadd.s32 s1, s30  }
0xb9: {  	s0 =	sor.u32 s3, s0;
	s1 =	sshll.u32 s1, $0x11  }
0xba: {  	s0 =	sor.u32 s1, s0  }
0xbb: {  	s0 =	sadd.s32 $0x8F2B, s0  }
0xbc: {  	[sflag:s0] =	ssyncadd.remote.s32 $0x1  }
0xbd: {  	_ =	sfence.sel $0xFFFF  }
0xbe: {  	[dreg:$0x0] =	wrdreg $0xFFFFFFFF;
	(pc) =	sbr.abs _section_cstart, $3  }
0xbf: {  	[dreg:$0x1] =	wrdreg $0xFFFFFFFF  }
0xc0: {  	_ =	task.clear_ibuf [dreg:s6], $0x2FFFF;
	_ =	strace $0x9FFFFFFF  }
0xc1: {  	(tm) =	ssettm $0x7FFFFFFF  }
tec
execute0_lowered:
.L_overlay_start_1:
0x0: {  	(tag) =	ssettag $0x1  }
0x1: {  	s7 =	rddreg [dreg:$0x0]  }
0x2: {  	s0 =	rddreg [dreg:$0x1];
	s1 =	simm.s32 $0x0;
	s3 =	srdreg.scid  }
0x3: {  	s2 =	stileid.u32;
	s14 =	simm.s32 $0x1;
	s15 =	simm.s32 $0x800  }
0x4: {  	s16 =	simm.s32 $0x1000;
	s17 =	simm.s32 $0x1800;
	s18 =	simm.s32 $0x2000  }
0x5: {  	s19 =	simm.s32 $0x2800;
	s20 =	simm.s32 $0x3000;
	s21 =	simm.s32 $0x3800  }
0x6: {  	s22 =	simm.s32 $0x4000;
	s23 =	simm.s32 $0x4800;
	s24 =	simm.s32 $0x5000  }
0x7: {  	s25 =	simm.s32 $0x5800;
	s28 =	simm.s32 $0x6800;
	s29 =	simm.s32 $0x7000  }
0x8: {  	s30 =	simm.s32 $0x7800;
	[smem:$0x7FF] =	sst s1;
	s10 =	sadd.s32 $0x1E00, s7  }
0x9: {  	s8 =	sadd.s32 $0x42000, s7;
	s3 =	sand.u32 $0x1, s3;
	s5 =	sshll.u32 s2, $0x8  }
0xa: {  	s9 =	sadd.s32 $0x41E00, s7;
	s4 =	ssub.s32 $0x2, s3;
	s3 =	sshll.u32 s3, $0x7  }
0xb: {  	_ =	strace $0x80000047;
	s6 =	sshrl.u32 s4, $0x1;
	s5 =	sor.u32 s3, s5  }
0xc: {  	s3 =	sadd.s32 $0x42200, s7;
	s7 =	sadd.s32 $0x42300, s7;
	s11 =	ssub.s32 s4, s6  }
0xd: {  	s26 =	sshrl.u32 s5, $0x3;
	s12 =	sshll.u32 s5, $0x6;
	s13 =	sor.u32 $0x40, s5  }
0xe: {  	s4 =	sadd.s32 s8, s26;
	s5 =	sadd.s32 s9, s26;
	s6 =	sadd.s32 s10, s12  }
0xf: {  	v2 =	vlaneseq.u32;
	s31 =	sshrl.u32 s13, $0x3;
	s13 =	sshll.u32 s13, $0x6;
	s11 =	smax.u32 s11, $0x1  }
0x10: {  	vm0 =	vmmov $0xffff;
	v1 =	vshrl.u32 v2, $0x3;
	s12 =	simm.s32 $0x8000;
	s26 =	simm.s32 $0x6000;
	s8 =	sadd.s32 s8, s31  }
0x11: {  	v0 =	vand.u32 $0x7, v2;
	v2 =	vor.u32 $0x8, v2;
	v1 =	vmul.u32 $0x8, v1;
	s9 =	sadd.s32 s9, s31;
	s10 =	sadd.s32 s10, s13;
	s13 =	simm.s32 $0x8080  }
.LBB2_1:
0x12: {  	[tilespmem:s12], [sflag:$0x1] =	stream.linear.gather [hbm4b:s4+s1], $0x40, $0x38;
	[tilespmem:$0x8100] =	vst v63  }
0x13: {  	_ = 	snop  }
0x14: {  	[tilespmem:s13], [sflag:$0x1] =	stream.linear.gather [hbm4b:s5+s1], $0x40, $0x38;
	[tilespmem:$0x8100] =	vst v63  }
0x15: {  	_ = 	snop  }
0x16: {  	[tilespmem:s1], [sflag:$0x1] =	stream.linear.gather [hbm4b:s6+s1], $0x8000, $0x38;
	[tilespmem:$0x8100] =	vst v63  }
0x17: {  	_ =	swait.ge [sflag:s14], $0x40  }
0x18: {  	[sflag:s14] =	ssyncset.done $0x0  }
0x19: {  	[sflag:s14] =	ssyncadd.s32 $0xFFFFFFC0  }
0x1a: {  	_ =	swait.ge [sflag:s14], $0x40  }
0x1b: {  	[sflag:s14] =	ssyncset.done $0x0  }
0x1c: {  	[sflag:s14] =	ssyncadd.s32 $0xFFFFFFC0  }
0x1d: {  	_ =	swait.ge [sflag:s14], $0x8000  }
0x1e: {  	[sflag:s14] =	ssyncset.done $0x0  }
0x1f: {  	[sflag:s14] =	ssyncadd.s32 $0xFFFF8000  }
0x20: {  	v3 =	vld [tilespmem:$0x8000];
	_ =	sdelay $0x4  }
0x21: {  	v4 =	vshll.u32 v3, $0x2  }
0x22: {  	v3 =	vand.u32 $0x7, v3;
	v4 =	vand.u32 $0xFFFFFFE0, v4  }
0x23: {  	v3 =	vor.u32 v3, v4  }
0x24: {  	v4 =	vperm.xlane v3, v0;
	_ =	sdelay $0x1  }
0x25: {  	v4 =	vadd.s32 v1, v4;
	_ =	sdelay $0x1  }
0x26: {  	v3 =	vperm.xlane v3, v2;
	_ =	sdelay $0x1  }
0x27: {  	v3 =	vadd.s32 v1, v3  }
0x28: {  	[hbm4b:s3+s1] =	stream.indirect_vreg.scatter [tilespmem:s1], [sflag:$0x1], $0x80, v4, vm0, $0xb8;
	[tilespmem:$0x8100] =	vst v63  }
0x29: {  	_ = 	snop  }
0x2a: {  	[hbm4b:s7+s1] =	stream.indirect_vreg.scatter [tilespmem:s15], [sflag:$0x1], $0x80, v4, vm0, $0xb8;
	[tilespmem:$0x8100] =	vst v63  }
0x2b: {  	_ = 	snop  }
0x2c: {  	[hbm4b:s3+s1] =	stream.indirect_vreg.scatter [tilespmem:s16], [sflag:$0x1], $0x80, v3, vm0, $0xb8;
	[tilespmem:$0x8100] =	vst v63  }
0x2d: {  	_ = 	snop  }
0x2e: {  	[hbm4b:s7+s1] =	stream.indirect_vreg.scatter [tilespmem:s17], [sflag:$0x1], $0x80, v3, vm0, $0xb8;
	[tilespmem:$0x8100] =	vst v63  }
0x2f: {  	v3 =	vld [tilespmem:$0x8010];
	_ =	sdelay $0x4  }
0x30: {  	v49 =	vshll.u32 v3, $0x2  }
0x31: {  	v3 =	vand.u32 $0x7, v3;
	v4 =	vand.u32 $0xFFFFFFE0, v49  }
0x32: {  	v3 =	vor.u32 v3, v4  }
0x33: {  	v4 =	vperm.xlane v3, v0;
	_ =	sdelay $0x1  }
0x34: {  	v4 =	vadd.s32 v1, v4;
	_ =	sdelay $0x1  }
0x35: {  	v3 =	vperm.xlane v3, v2;
	_ =	sdelay $0x1  }
0x36: {  	v3 =	vadd.s32 v1, v3  }
0x37: {  	[hbm4b:s3+s1] =	stream.indirect_vreg.scatter [tilespmem:s18], [sflag:$0x1], $0x80, v4, vm0, $0xb8;
	[tilespmem:$0x8100] =	vst v63  }
0x38: {  	_ = 	snop  }
0x39: {  	[hbm4b:s7+s1] =	stream.indirect_vreg.scatter [tilespmem:s19], [sflag:$0x1], $0x80, v4, vm0, $0xb8;
	[tilespmem:$0x8100] =	vst v63  }
0x3a: {  	_ = 	snop  }
0x3b: {  	[hbm4b:s3+s1] =	stream.indirect_vreg.scatter [tilespmem:s20], [sflag:$0x1], $0x80, v3, vm0, $0xb8;
	[tilespmem:$0x8100] =	vst v63  }
0x3c: {  	_ = 	snop  }
0x3d: {  	[hbm4b:s7+s1] =	stream.indirect_vreg.scatter [tilespmem:s21], [sflag:$0x1], $0x80, v3, vm0, $0xb8;
	[tilespmem:$0x8100] =	vst v63  }
0x3e: {  	v3 =	vld [tilespmem:$0x8020];
	_ =	sdelay $0x4  }
0x3f: {  	v50 =	vshll.u32 v3, $0x2  }
0x40: {  	v3 =	vand.u32 $0x7, v3;
	v4 =	vand.u32 $0xFFFFFFE0, v50  }
0x41: {  	v3 =	vor.u32 v3, v4  }
0x42: {  	v4 =	vperm.xlane v3, v0;
	_ =	sdelay $0x1  }
0x43: {  	v4 =	vadd.s32 v1, v4;
	_ =	sdelay $0x1  }
0x44: {  	v3 =	vperm.xlane v3, v2;
	_ =	sdelay $0x1  }
0x45: {  	v3 =	vadd.s32 v1, v3  }
0x46: {  	[hbm4b:s3+s1] =	stream.indirect_vreg.scatter [tilespmem:s22], [sflag:$0x1], $0x80, v4, vm0, $0xb8;
	[tilespmem:$0x8100] =	vst v63  }
0x47: {  	_ = 	snop  }
0x48: {  	[hbm4b:s7+s1] =	stream.indirect_vreg.scatter [tilespmem:s23], [sflag:$0x1], $0x80, v4, vm0, $0xb8;
	[tilespmem:$0x8100] =	vst v63  }
0x49: {  	_ = 	snop  }
0x4a: {  	[hbm4b:s3+s1] =	stream.indirect_vreg.scatter [tilespmem:s24], [sflag:$0x1], $0x80, v3, vm0, $0xb8;
	[tilespmem:$0x8100] =	vst v63  }
0x4b: {  	_ = 	snop  }
0x4c: {  	[hbm4b:s7+s1] =	stream.indirect_vreg.scatter [tilespmem:s25], [sflag:$0x1], $0x80, v3, vm0, $0xb8;
	[tilespmem:$0x8100] =	vst v63  }
0x4d: {  	v3 =	vld [tilespmem:$0x8030];
	_ =	sdelay $0x4  }
0x4e: {  	v51 =	vshll.u32 v3, $0x2  }
0x4f: {  	v3 =	vand.u32 $0x7, v3;
	v4 =	vand.u32 $0xFFFFFFE0, v51  }
0x50: {  	v3 =	vor.u32 v3, v4  }
0x51: {  	v4 =	vperm.xlane v3, v0;
	_ =	sdelay $0x1  }
0x52: {  	v4 =	vadd.s32 v1, v4;
	_ =	sdelay $0x1  }
0x53: {  	v3 =	vperm.xlane v3, v2;
	_ =	sdelay $0x1  }
0x54: {  	v3 =	vadd.s32 v1, v3  }
0x55: {  	[hbm4b:s3+s1] =	stream.indirect_vreg.scatter [tilespmem:s26], [sflag:$0x1], $0x80, v4, vm0, $0xb8;
	[tilespmem:$0x8100] =	vst v63  }
0x56: {  	_ = 	snop  }
0x57: {  	[hbm4b:s7+s1] =	stream.indirect_vreg.scatter [tilespmem:s28], [sflag:$0x1], $0x80, v4, vm0, $0xb8;
	[tilespmem:$0x8100] =	vst v63  }
0x58: {  	_ = 	snop  }
0x59: {  	[hbm4b:s3+s1] =	stream.indirect_vreg.scatter [tilespmem:s29], [sflag:$0x1], $0x80, v3, vm0, $0xb8;
	[tilespmem:$0x8100] =	vst v63  }
0x5a: {  	_ = 	snop  }
0x5b: {  	[hbm4b:s7+s1] =	stream.indirect_vreg.scatter [tilespmem:s30], [sflag:$0x1], $0x80, v3, vm0, $0xb8;
	[tilespmem:$0x8100] =	vst v63  }
0x5c: {  	v3 =	vld [tilespmem:$0x8080];
	_ =	sdelay $0x4  }
0x5d: {  	v52 =	vshll.u32 v3, $0x2  }
0x5e: {  	v3 =	vand.u32 $0x7, v3;
	v4 =	vand.u32 $0xFFFFFFE0, v52  }
0x5f: {  	v3 =	vor.u32 v3, v4  }
0x60: {  	v4 =	vperm.xlane v3, v0;
	_ =	sdelay $0x1  }
0x61: {  	v4 =	vadd.s32 v1, v4;
	_ =	sdelay $0x1  }
0x62: {  	v3 =	vperm.xlane v3, v2;
	_ =	sdelay $0x1  }
0x63: {  	v3 =	vadd.s32 v1, v3  }
0x64: {  	[hbm4b:s3+s1] =	stream.indirect_vreg.scatter [tilespmem:s1], [sflag:$0x1], $0x80, v4, vm0, $0xb8;
	[tilespmem:$0x8100] =	vst v63  }
0x65: {  	_ = 	snop  }
0x66: {  	[hbm4b:s7+s1] =	stream.indirect_vreg.scatter [tilespmem:s15], [sflag:$0x1], $0x80, v4, vm0, $0xb8;
	[tilespmem:$0x8100] =	vst v63  }
0x67: {  	_ = 	snop  }
0x68: {  	[hbm4b:s3+s1] =	stream.indirect_vreg.scatter [tilespmem:s16], [sflag:$0x1], $0x80, v3, vm0, $0xb8;
	[tilespmem:$0x8100] =	vst v63  }
0x69: {  	_ = 	snop  }
0x6a: {  	[hbm4b:s7+s1] =	stream.indirect_vreg.scatter [tilespmem:s17], [sflag:$0x1], $0x80, v3, vm0, $0xb8;
	[tilespmem:$0x8100] =	vst v63  }
0x6b: {  	v3 =	vld [tilespmem:$0x8090];
	_ =	sdelay $0x4  }
0x6c: {  	v53 =	vshll.u32 v3, $0x2  }
0x6d: {  	v3 =	vand.u32 $0x7, v3;
	v4 =	vand.u32 $0xFFFFFFE0, v53  }
0x6e: {  	v3 =	vor.u32 v3, v4  }
0x6f: {  	v4 =	vperm.xlane v3, v0;
	_ =	sdelay $0x1  }
0x70: {  	v4 =	vadd.s32 v1, v4;
	_ =	sdelay $0x1  }
0x71: {  	v3 =	vperm.xlane v3, v2;
	_ =	sdelay $0x1  }
0x72: {  	v3 =	vadd.s32 v1, v3  }
0x73: {  	[hbm4b:s3+s1] =	stream.indirect_vreg.scatter [tilespmem:s18], [sflag:$0x1], $0x80, v4, vm0, $0xb8;
	[tilespmem:$0x8100] =	vst v63  }
0x74: {  	_ = 	snop  }
0x75: {  	[hbm4b:s7+s1] =	stream.indirect_vreg.scatter [tilespmem:s19], [sflag:$0x1], $0x80, v4, vm0, $0xb8;
	[tilespmem:$0x8100] =	vst v63  }
0x76: {  	_ = 	snop  }
0x77: {  	[hbm4b:s3+s1] =	stream.indirect_vreg.scatter [tilespmem:s20], [sflag:$0x1], $0x80, v3, vm0, $0xb8;
	[tilespmem:$0x8100] =	vst v63  }
0x78: {  	_ = 	snop  }
0x79: {  	[hbm4b:s7+s1] =	stream.indirect_vreg.scatter [tilespmem:s21], [sflag:$0x1], $0x80, v3, vm0, $0xb8;
	[tilespmem:$0x8100] =	vst v63  }
0x7a: {  	v3 =	vld [tilespmem:$0x80A0];
	_ =	sdelay $0x4  }
0x7b: {  	v54 =	vshll.u32 v3, $0x2  }
0x7c: {  	v3 =	vand.u32 $0x7, v3;
	v4 =	vand.u32 $0xFFFFFFE0, v54  }
0x7d: {  	v3 =	vor.u32 v3, v4  }
0x7e: {  	v4 =	vperm.xlane v3, v0;
	_ =	sdelay $0x1  }
0x7f: {  	v4 =	vadd.s32 v1, v4;
	_ =	sdelay $0x1  }
0x80: {  	v3 =	vperm.xlane v3, v2;
	_ =	sdelay $0x1  }
0x81: {  	v3 =	vadd.s32 v1, v3  }
0x82: {  	[hbm4b:s3+s1] =	stream.indirect_vreg.scatter [tilespmem:s22], [sflag:$0x1], $0x80, v4, vm0, $0xb8;
	[tilespmem:$0x8100] =	vst v63  }
0x83: {  	_ = 	snop  }
0x84: {  	[hbm4b:s7+s1] =	stream.indirect_vreg.scatter [tilespmem:s23], [sflag:$0x1], $0x80, v4, vm0, $0xb8;
	[tilespmem:$0x8100] =	vst v63  }
0x85: {  	_ = 	snop  }
0x86: {  	[hbm4b:s3+s1] =	stream.indirect_vreg.scatter [tilespmem:s24], [sflag:$0x1], $0x80, v3, vm0, $0xb8;
	[tilespmem:$0x8100] =	vst v63  }
0x87: {  	_ = 	snop  }
0x88: {  	[hbm4b:s7+s1] =	stream.indirect_vreg.scatter [tilespmem:s25], [sflag:$0x1], $0x80, v3, vm0, $0xb8;
	[tilespmem:$0x8100] =	vst v63  }
0x89: {  	v3 =	vld [tilespmem:$0x80B0];
	_ =	sdelay $0x4  }
0x8a: {  	v55 =	vshll.u32 v3, $0x2  }
0x8b: {  	v3 =	vand.u32 $0x7, v3;
	v4 =	vand.u32 $0xFFFFFFE0, v55  }
0x8c: {  	v3 =	vor.u32 v3, v4  }
0x8d: {  	v4 =	vperm.xlane v3, v0;
	_ =	sdelay $0x1  }
0x8e: {  	v4 =	vadd.s32 v1, v4;
	_ =	sdelay $0x1  }
0x8f: {  	v3 =	vperm.xlane v3, v2;
	_ =	sdelay $0x1  }
0x90: {  	v3 =	vadd.s32 v1, v3  }
0x91: {  	[hbm4b:s3+s1] =	stream.indirect_vreg.scatter [tilespmem:s26], [sflag:$0x1], $0x80, v4, vm0, $0xb8;
	[tilespmem:$0x8100] =	vst v63  }
0x92: {  	_ = 	snop  }
0x93: {  	[hbm4b:s7+s1] =	stream.indirect_vreg.scatter [tilespmem:s28], [sflag:$0x1], $0x80, v4, vm0, $0xb8;
	[tilespmem:$0x8100] =	vst v63  }
0x94: {  	_ = 	snop  }
0x95: {  	[hbm4b:s3+s1] =	stream.indirect_vreg.scatter [tilespmem:s29], [sflag:$0x1], $0x80, v3, vm0, $0xb8;
	[tilespmem:$0x8100] =	vst v63  }
0x96: {  	_ = 	snop  }
0x97: {  	[hbm4b:s7+s1] =	stream.indirect_vreg.scatter [tilespmem:s30], [sflag:$0x1], $0x80, v3, vm0, $0xb8;
	[tilespmem:$0x8100] =	vst v63  }
0x98: {  	_ =	swait.ge [sflag:s14], $0x8000  }
0x99: {  	[sflag:s14] =	ssyncset.done $0x0  }
0x9a: {  	[sflag:s14] =	ssyncadd.s32 $0xFFFF8000  }
0x9b: {  	_ =	swait.ge [sflag:s14], $0x8000  }
0x9c: {  	[sflag:s14] =	ssyncset.done $0x0  }
0x9d: {  	[sflag:s14] =	ssyncadd.s32 $0xFFFF8000  }
0x9e: {  	[tilespmem:s12], [sflag:$0x1] =	stream.linear.gather [hbm4b:s8+s1], $0x40, $0x38;
	[tilespmem:$0x8100] =	vst v63  }
0x9f: {  	_ = 	snop  }
0xa0: {  	[tilespmem:s13], [sflag:$0x1] =	stream.linear.gather [hbm4b:s9+s1], $0x40, $0x38;
	[tilespmem:$0x8100] =	vst v63  }
0xa1: {  	_ = 	snop  }
0xa2: {  	[tilespmem:s1], [sflag:$0x1] =	stream.linear.gather [hbm4b:s10+s1], $0x8000, $0x38;
	[tilespmem:$0x8100] =	vst v63  }
0xa3: {  	_ =	swait.ge [sflag:s14], $0x40  }
0xa4: {  	[sflag:s14] =	ssyncset.done $0x0  }
0xa5: {  	[sflag:s14] =	ssyncadd.s32 $0xFFFFFFC0  }
0xa6: {  	_ =	swait.ge [sflag:s14], $0x40  }
0xa7: {  	[sflag:s14] =	ssyncset.done $0x0  }
0xa8: {  	[sflag:s14] =	ssyncadd.s32 $0xFFFFFFC0  }
0xa9: {  	_ =	swait.ge [sflag:s14], $0x8000  }
0xaa: {  	[sflag:s14] =	ssyncset.done $0x0  }
0xab: {  	[sflag:s14] =	ssyncadd.s32 $0xFFFF8000  }
0xac: {  	v3 =	vld [tilespmem:$0x8000];
	_ =	sdelay $0x4  }
0xad: {  	v56 =	vshll.u32 v3, $0x2  }
0xae: {  	v3 =	vand.u32 $0x7, v3;
	v4 =	vand.u32 $0xFFFFFFE0, v56  }
0xaf: {  	v3 =	vor.u32 v3, v4  }
0xb0: {  	v4 =	vperm.xlane v3, v0;
	_ =	sdelay $0x1  }
0xb1: {  	v4 =	vadd.s32 v1, v4;
	_ =	sdelay $0x1  }
0xb2: {  	v3 =	vperm.xlane v3, v2;
	_ =	sdelay $0x1  }
0xb3: {  	v3 =	vadd.s32 v1, v3  }
0xb4: {  	[hbm4b:s3+s1] =	stream.indirect_vreg.scatter [tilespmem:s1], [sflag:$0x1], $0x80, v4, vm0, $0xb8;
	[tilespmem:$0x8100] =	vst v63  }
0xb5: {  	_ = 	snop  }
0xb6: {  	[hbm4b:s7+s1] =	stream.indirect_vreg.scatter [tilespmem:s15], [sflag:$0x1], $0x80, v4, vm0, $0xb8;
	[tilespmem:$0x8100] =	vst v63  }
0xb7: {  	_ = 	snop  }
0xb8: {  	[hbm4b:s3+s1] =	stream.indirect_vreg.scatter [tilespmem:s16], [sflag:$0x1], $0x80, v3, vm0, $0xb8;
	[tilespmem:$0x8100] =	vst v63  }
0xb9: {  	_ = 	snop  }
0xba: {  	[hbm4b:s7+s1] =	stream.indirect_vreg.scatter [tilespmem:s17], [sflag:$0x1], $0x80, v3, vm0, $0xb8;
	[tilespmem:$0x8100] =	vst v63  }
0xbb: {  	v3 =	vld [tilespmem:$0x8010];
	_ =	sdelay $0x4  }
0xbc: {  	v57 =	vshll.u32 v3, $0x2  }
0xbd: {  	v3 =	vand.u32 $0x7, v3;
	v4 =	vand.u32 $0xFFFFFFE0, v57  }
0xbe: {  	v3 =	vor.u32 v3, v4  }
0xbf: {  	v4 =	vperm.xlane v3, v0;
	_ =	sdelay $0x1  }
0xc0: {  	v4 =	vadd.s32 v1, v4;
	_ =	sdelay $0x1  }
0xc1: {  	v3 =	vperm.xlane v3, v2;
	_ =	sdelay $0x1  }
0xc2: {  	v3 =	vadd.s32 v1, v3  }
0xc3: {  	[hbm4b:s3+s1] =	stream.indirect_vreg.scatter [tilespmem:s18], [sflag:$0x1], $0x80, v4, vm0, $0xb8;
	[tilespmem:$0x8100] =	vst v63  }
0xc4: {  	_ = 	snop  }
0xc5: {  	[hbm4b:s7+s1] =	stream.indirect_vreg.scatter [tilespmem:s19], [sflag:$0x1], $0x80, v4, vm0, $0xb8;
	[tilespmem:$0x8100] =	vst v63  }
0xc6: {  	_ = 	snop  }
0xc7: {  	[hbm4b:s3+s1] =	stream.indirect_vreg.scatter [tilespmem:s20], [sflag:$0x1], $0x80, v3, vm0, $0xb8;
	[tilespmem:$0x8100] =	vst v63  }
0xc8: {  	_ = 	snop  }
0xc9: {  	[hbm4b:s7+s1] =	stream.indirect_vreg.scatter [tilespmem:s21], [sflag:$0x1], $0x80, v3, vm0, $0xb8;
	[tilespmem:$0x8100] =	vst v63  }
0xca: {  	v3 =	vld [tilespmem:$0x8020];
	_ =	sdelay $0x4  }
0xcb: {  	v58 =	vshll.u32 v3, $0x2  }
0xcc: {  	v3 =	vand.u32 $0x7, v3;
	v4 =	vand.u32 $0xFFFFFFE0, v58  }
0xcd: {  	v3 =	vor.u32 v3, v4  }
0xce: {  	v4 =	vperm.xlane v3, v0;
	_ =	sdelay $0x1  }
0xcf: {  	v4 =	vadd.s32 v1, v4;
	_ =	sdelay $0x1  }
0xd0: {  	v3 =	vperm.xlane v3, v2;
	_ =	sdelay $0x1  }
0xd1: {  	v3 =	vadd.s32 v1, v3  }
0xd2: {  	[hbm4b:s3+s1] =	stream.indirect_vreg.scatter [tilespmem:s22], [sflag:$0x1], $0x80, v4, vm0, $0xb8;
	[tilespmem:$0x8100] =	vst v63  }
0xd3: {  	_ = 	snop  }
0xd4: {  	[hbm4b:s7+s1] =	stream.indirect_vreg.scatter [tilespmem:s23], [sflag:$0x1], $0x80, v4, vm0, $0xb8;
	[tilespmem:$0x8100] =	vst v63  }
0xd5: {  	_ = 	snop  }
0xd6: {  	[hbm4b:s3+s1] =	stream.indirect_vreg.scatter [tilespmem:s24], [sflag:$0x1], $0x80, v3, vm0, $0xb8;
	[tilespmem:$0x8100] =	vst v63  }
0xd7: {  	_ = 	snop  }
0xd8: {  	[hbm4b:s7+s1] =	stream.indirect_vreg.scatter [tilespmem:s25], [sflag:$0x1], $0x80, v3, vm0, $0xb8;
	[tilespmem:$0x8100] =	vst v63  }
0xd9: {  	v3 =	vld [tilespmem:$0x8030];
	_ =	sdelay $0x4  }
0xda: {  	v59 =	vshll.u32 v3, $0x2  }
0xdb: {  	v3 =	vand.u32 $0x7, v3;
	v4 =	vand.u32 $0xFFFFFFE0, v59  }
0xdc: {  	v3 =	vor.u32 v3, v4  }
0xdd: {  	v4 =	vperm.xlane v3, v0;
	_ =	sdelay $0x1  }
0xde: {  	v4 =	vadd.s32 v1, v4;
	_ =	sdelay $0x1  }
0xdf: {  	v3 =	vperm.xlane v3, v2;
	_ =	sdelay $0x1  }
0xe0: {  	v3 =	vadd.s32 v1, v3  }
0xe1: {  	[hbm4b:s3+s1] =	stream.indirect_vreg.scatter [tilespmem:s26], [sflag:$0x1], $0x80, v4, vm0, $0xb8;
	[tilespmem:$0x8100] =	vst v63  }
0xe2: {  	_ = 	snop  }
0xe3: {  	[hbm4b:s7+s1] =	stream.indirect_vreg.scatter [tilespmem:s28], [sflag:$0x1], $0x80, v4, vm0, $0xb8;
	[tilespmem:$0x8100] =	vst v63  }
0xe4: {  	_ = 	snop  }
0xe5: {  	[hbm4b:s3+s1] =	stream.indirect_vreg.scatter [tilespmem:s29], [sflag:$0x1], $0x80, v3, vm0, $0xb8;
	[tilespmem:$0x8100] =	vst v63  }
0xe6: {  	_ = 	snop  }
0xe7: {  	[hbm4b:s7+s1] =	stream.indirect_vreg.scatter [tilespmem:s30], [sflag:$0x1], $0x80, v3, vm0, $0xb8;
	[tilespmem:$0x8100] =	vst v63  }
0xe8: {  	v3 =	vld [tilespmem:$0x8080];
	_ =	sdelay $0x4  }
0xe9: {  	v60 =	vshll.u32 v3, $0x2  }
0xea: {  	v3 =	vand.u32 $0x7, v3;
	v4 =	vand.u32 $0xFFFFFFE0, v60  }
0xeb: {  	v3 =	vor.u32 v3, v4  }
0xec: {  	v4 =	vperm.xlane v3, v0;
	_ =	sdelay $0x1  }
0xed: {  	v4 =	vadd.s32 v1, v4;
	_ =	sdelay $0x1  }
0xee: {  	v3 =	vperm.xlane v3, v2;
	_ =	sdelay $0x1  }
0xef: {  	v3 =	vadd.s32 v1, v3  }
0xf0: {  	[hbm4b:s3+s1] =	stream.indirect_vreg.scatter [tilespmem:s1], [sflag:$0x1], $0x80, v4, vm0, $0xb8;
	[tilespmem:$0x8100] =	vst v63  }
0xf1: {  	_ = 	snop  }
0xf2: {  	[hbm4b:s7+s1] =	stream.indirect_vreg.scatter [tilespmem:s15], [sflag:$0x1], $0x80, v4, vm0, $0xb8;
	[tilespmem:$0x8100] =	vst v63  }
0xf3: {  	_ = 	snop  }
0xf4: {  	[hbm4b:s3+s1] =	stream.indirect_vreg.scatter [tilespmem:s16], [sflag:$0x1], $0x80, v3, vm0, $0xb8;
	[tilespmem:$0x8100] =	vst v63  }
0xf5: {  	_ = 	snop  }
0xf6: {  	[hbm4b:s7+s1] =	stream.indirect_vreg.scatter [tilespmem:s17], [sflag:$0x1], $0x80, v3, vm0, $0xb8;
	[tilespmem:$0x8100] =	vst v63  }
0xf7: {  	v3 =	vld [tilespmem:$0x8090];
	_ =	sdelay $0x4  }
0xf8: {  	v61 =	vshll.u32 v3, $0x2  }
0xf9: {  	v3 =	vand.u32 $0x7, v3;
	v4 =	vand.u32 $0xFFFFFFE0, v61  }
0xfa: {  	v3 =	vor.u32 v3, v4  }
0xfb: {  	v4 =	vperm.xlane v3, v0;
	_ =	sdelay $0x1  }
0xfc: {  	v4 =	vadd.s32 v1, v4;
	_ =	sdelay $0x1  }
0xfd: {  	v3 =	vperm.xlane v3, v2;
	_ =	sdelay $0x1  }
0xfe: {  	v3 =	vadd.s32 v1, v3  }
0xff: {  	[hbm4b:s3+s1] =	stream.indirect_vreg.scatter [tilespmem:s18], [sflag:$0x1], $0x80, v4, vm0, $0xb8;
	[tilespmem:$0x8100] =	vst v63  }
0x100: {  	_ = 	snop  }
0x101: {  	[hbm4b:s7+s1] =	stream.indirect_vreg.scatter [tilespmem:s19], [sflag:$0x1], $0x80, v4, vm0, $0xb8;
	[tilespmem:$0x8100] =	vst v63  }
0x102: {  	_ = 	snop  }
0x103: {  	[hbm4b:s3+s1] =	stream.indirect_vreg.scatter [tilespmem:s20], [sflag:$0x1], $0x80, v3, vm0, $0xb8;
	[tilespmem:$0x8100] =	vst v63  }
0x104: {  	_ = 	snop  }
0x105: {  	[hbm4b:s7+s1] =	stream.indirect_vreg.scatter [tilespmem:s21], [sflag:$0x1], $0x80, v3, vm0, $0xb8;
	[tilespmem:$0x8100] =	vst v63  }
0x106: {  	v3 =	vld [tilespmem:$0x80A0];
	_ =	sdelay $0x4  }
0x107: {  	v62 =	vshll.u32 v3, $0x2  }
0x108: {  	v3 =	vand.u32 $0x7, v3;
	v4 =	vand.u32 $0xFFFFFFE0, v62  }
0x109: {  	v3 =	vor.u32 v3, v4  }
0x10a: {  	v4 =	vperm.xlane v3, v0;
	_ =	sdelay $0x1  }
0x10b: {  	v4 =	vadd.s32 v1, v4;
	_ =	sdelay $0x1  }
0x10c: {  	v3 =	vperm.xlane v3, v2;
	_ =	sdelay $0x1  }
0x10d: {  	v3 =	vadd.s32 v1, v3  }
0x10e: {  	[hbm4b:s3+s1] =	stream.indirect_vreg.scatter [tilespmem:s22], [sflag:$0x1], $0x80, v4, vm0, $0xb8;
	[tilespmem:$0x8100] =	vst v63  }
0x10f: {  	_ = 	snop  }
0x110: {  	[hbm4b:s7+s1] =	stream.indirect_vreg.scatter [tilespmem:s23], [sflag:$0x1], $0x80, v4, vm0, $0xb8;
	[tilespmem:$0x8100] =	vst v63  }
0x111: {  	_ = 	snop  }
0x112: {  	[hbm4b:s3+s1] =	stream.indirect_vreg.scatter [tilespmem:s24], [sflag:$0x1], $0x80, v3, vm0, $0xb8;
	[tilespmem:$0x8100] =	vst v63  }
0x113: {  	_ = 	snop  }
0x114: {  	[hbm4b:s7+s1] =	stream.indirect_vreg.scatter [tilespmem:s25], [sflag:$0x1], $0x80, v3, vm0, $0xb8;
	[tilespmem:$0x8100] =	vst v63  }
0x115: {  	v3 =	vld [tilespmem:$0x80B0];
	_ =	sdelay $0x4  }
0x116: {  	v63 =	vshll.u32 v3, $0x2  }
0x117: {  	v3 =	vand.u32 $0x7, v3;
	v4 =	vand.u32 $0xFFFFFFE0, v63  }
0x118: {  	v3 =	vor.u32 v3, v4  }
0x119: {  	v4 =	vperm.xlane v3, v0;
	_ =	sdelay $0x1  }
0x11a: {  	v4 =	vadd.s32 v1, v4;
	_ =	sdelay $0x1  }
0x11b: {  	v3 =	vperm.xlane v3, v2;
	_ =	sdelay $0x1  }
0x11c: {  	v3 =	vadd.s32 v1, v3  }
0x11d: {  	[hbm4b:s3+s1] =	stream.indirect_vreg.scatter [tilespmem:s26], [sflag:$0x1], $0x80, v4, vm0, $0xb8;
	[tilespmem:$0x8100] =	vst v63  }
0x11e: {  	_ = 	snop  }
0x11f: {  	[hbm4b:s7+s1] =	stream.indirect_vreg.scatter [tilespmem:s28], [sflag:$0x1], $0x80, v4, vm0, $0xb8;
	[tilespmem:$0x8100] =	vst v63  }
0x120: {  	_ = 	snop  }
0x121: {  	[hbm4b:s3+s1] =	stream.indirect_vreg.scatter [tilespmem:s29], [sflag:$0x1], $0x80, v3, vm0, $0xb8;
	[tilespmem:$0x8100] =	vst v63  }
0x122: {  	_ = 	snop  }
0x123: {  	[hbm4b:s7+s1] =	stream.indirect_vreg.scatter [tilespmem:s30], [sflag:$0x1], $0x80, v3, vm0, $0xb8;
	[tilespmem:$0x8100] =	vst v63  }
0x124: {  	p0 =	sne.s32 s11, $0x1;
	_ =	swait.ge [sflag:s14], $0x8000  }
.Ltmp0:
0x125: {  	[sflag:s14] =	ssyncset.done $0x0;
	(pc) =	sbr.rel @p0 .LBB2_1-.Ltmp0, $4  }
0x126: {  	[sflag:s14] =	ssyncadd.s32 $0xFFFF8000  }
0x127: {  	_ =	swait.ge [sflag:s14], $0x8000  }
0x128: {  	[sflag:s14] =	ssyncset.done $0x0  }
0x129: {  	s11 =	sadd.s32 $0xFFFFFFFF, s11;
	[sflag:s14] =	ssyncadd.s32 $0xFFFF8000  }
0x12a: {  	_ =	sfence.sel $0x180000  }
0x12b: {  	[bflag:$0x0] =	sbarrier.arrive $0xFFFF  }
0x12c: {  	p0 =	sne.s32 s2, $0x0;
	_ =	strace $0x90000047  }
0x12d: {  	s0 =	sadd.s32 @!p0 $0x100000, s0;
	[bflag:$0x2] =	sbarrier.arrive $0xFFFF  }
0x12e: {  	[sflag:s0] =	ssyncadd.tile.s32 @!p0 $0x1;
	_ =	shalt  }
.Lfunc_end2:
_tile_overlayer_lowered:
.L_overlay_start_2:
0x12f: {  	(tag) =	ssettag $0x2  }
0x130: {  	s0 =	rddreg [dreg:$0x0];
	s2 =	stileid.u32  }
0x131: {  	s1 =	rddreg [dreg:$0x1];
	p0 =	sne.s32 s2, $0x0  }
0x132: {  	s3 =	rddreg [dreg:$0x2];
	[bflag:$0x3] =	sbarrier.arrive $0xFFFF;
	s2 =	simm.s32 @!p0 $0x1C02  }
0x133: {  	[timem:s3], [sflag:s2] =	dma.local @!p0 [hbm:s0], s1  }
0x134: {  	s0 =	simm.s32 @!p0 $0x2  }
0x135: {  	_ =	swait.ge @!p0 [sflag:s0], s1  }
0x136: {  	s1 =	ssub.s32 @!p0 $0x0, s1;
	[sflag:s0] =	ssyncset.done @!p0 $0x0  }
0x137: {  	[sflag:s0] =	ssyncadd.s32 @!p0 s1  }
0x138: {  	[bflag:$0x3] =	sbarrier.arrive $0xFFFF  }
0x139: {  	_ =	shalt  }

</sc_bundles>
